<compile_context>
chip_gen: v7x
topology: tpu7x:2x2x1
jax: 0.10.2.dev20260603
libtpu: 0.0.44.dev20260713+nightly
codegen_flags: <defaults>
</compile_context>

<pallas_src>
import functools
import math

import jax
import jax.numpy as jnp
from jax import lax
from jax.experimental import pallas as pl
from jax.experimental.pallas import tpu as pltpu
from jax.experimental.pallas import tpu_sc as plsc

H = 512
W = 512
FOV = 60.0
ASPECT = 1.0
NEAR = 0.1
FAR = 100.0
ALPHA_THRESHOLD = 0.99
HW = H * W
NPAD = 1 << 18
ROWS = 2048
LANES = 128
LOG2N = 18
LOG_EPS = math.log(1.0 - ALPHA_THRESHOLD)
A_MAX = 0.99999994
NW = 32
PIX_PER_W = HW // NW
CHUNK = 2048
BIG = HW


def _tc_body(karr_ref, jarr_ref, pix_ref_in, nd_ref, a_ref, r_ref, g_ref,
             b_ref, pix_ref, cr_ref, cg_ref, cb_ref, bnd_ref):
    row = lax.broadcasted_iota(jnp.int32, (ROWS, LANES), 0)
    lane = lax.broadcasted_iota(jnp.int32, (ROWS, LANES), 1)
    flat = row * LANES + lane

    pix = pix_ref_in[...]
    nd = nd_ref[...]
    av = jnp.minimum(a_ref[...], A_MAX)
    rv = r_ref[...]
    gv = g_ref[...]
    bv = b_ref[...]
    idx = flat

    karr = karr_ref[...]
    jarr = jarr_ref[...]
    npass = LOG2N * (LOG2N + 1) // 2
    tiny = lax.broadcasted_iota(jnp.int32, (2, 128), 0) * 128 + \
        lax.broadcasted_iota(jnp.int32, (2, 128), 1)

    def sort_pass(t, arrs):
        pixs, nds, idxs = arrs[0], arrs[1], arrs[2]
        kv = jnp.sum(jnp.where(tiny == t, karr, 0))
        jv = jnp.sum(jnp.where(tiny == t, jarr, 0))
        desc = ((flat >> kv) & 1) == 1
        self_hi = ((flat >> jv) & 1) == 1
        s_lane = jnp.int32(1) << jv
        s_row = jnp.int32(1) << jnp.maximum(jv - 7, 0)

        def lane_rolls(_):
            neg = jnp.int32(LANES) - s_lane
            return tuple(pltpu.roll(a, neg, axis=1) for a in arrs) + \
                tuple(pltpu.roll(a, s_lane, axis=1) for a in arrs)

        def row_rolls(_):
            neg = jnp.int32(ROWS) - s_row
            return tuple(pltpu.roll(a, neg, axis=0) for a in arrs) + \
                tuple(pltpu.roll(a, s_row, axis=0) for a in arrs)

        rolled = lax.cond(jv < 7, lane_rolls, row_rolls, 0)
        na = len(arrs)
        part = tuple(jnp.where(self_hi, rolled[na + i], rolled[i])
                     for i in range(na))
        p_lo = jnp.where(self_hi, part[0], pixs)
        p_hi = jnp.where(self_hi, pixs, part[0])
        d_lo = jnp.where(self_hi, part[1], nds)
        d_hi = jnp.where(self_hi, nds, part[1])
        i_lo = jnp.where(self_hi, part[2], idxs)
        i_hi = jnp.where(self_hi, idxs, part[2])
        cmp = ((p_lo < p_hi)
               | ((p_lo == p_hi)
                  & ((d_lo < d_hi) | ((d_lo == d_hi) & (i_lo < i_hi)))))
        swap = cmp == desc
        return tuple(jnp.where(swap, part[i], a)
                     for i, a in enumerate(arrs))

    pix, nd, _, av, rv, gv, bv = lax.fori_loop(
        0, npass, sort_pass, (pix, nd, idx, av, rv, gv, bv))

    bix = lax.broadcasted_iota(jnp.int32, (8, LANES), 0) * LANES + \
        lax.broadcasted_iota(jnp.int32, (8, LANES), 1)

    def bnd_step(t, acc):
        cnt = jnp.sum((pix < t * PIX_PER_W).astype(jnp.int32))
        return acc + jnp.where(bix == t, cnt, 0)

    bnd_ref[...] = lax.fori_loop(0, NW + 1, bnd_step,
                                 jnp.zeros((8, LANES), jnp.int32))

    def shift_up(t, s, fill):
        def lane_case(_):
            u = pltpu.roll(t, s, axis=1)
            return jnp.where(lane >= s, u, pltpu.roll(u, 1, axis=0))

        def row_case(_):
            return pltpu.roll(t, s >> 7, axis=0)

        u = lax.cond(s < LANES, lane_case, row_case, 0)
        return jnp.where(flat >= s, u, fill)

    prev_pix = jnp.where(lane >= 1, pltpu.roll(pix, 1, axis=1),
                         pltpu.roll(pltpu.roll(pix, 1, axis=1), 1, axis=0))
    prev_pix = jnp.where(flat >= 1, prev_pix, -1)
    first = (pix != prev_pix).astype(jnp.int32)
    nxt_pix = jnp.where(
        lane < LANES - 1, pltpu.roll(pix, LANES - 1, axis=1),
        pltpu.roll(pltpu.roll(pix, LANES - 1, axis=1), ROWS - 1, axis=0))
    nxt_pix = jnp.where(flat < NPAD - 1, nxt_pix, -2)
    last = pix != nxt_pix

    la = jnp.log1p(-av)

    def scan_a(st, carry):
        lv, f = carry
        s = jnp.int32(1) << st
        pv = shift_up(lv, s, 0.0)
        pf = shift_up(f, s, 1)
        lv = jnp.where(f > 0, lv, lv + pv)
        return lv, f | pf

    lv, _ = lax.fori_loop(0, LOG2N, scan_a, (la, first))

    l_excl = lv - la
    incl = l_excl > LOG_EPS
    wgt = jnp.where(incl, av * jnp.exp(-lv), 0.0)
    tr = rv * wgt
    tg = gv * wgt
    tb = bv * wgt
    lm = jnp.where(incl, lv, jnp.float32(1e30))

    def scan_b(st, carry):
        lmv, trv, tgv, tbv, f = carry
        s = jnp.int32(1) << st
        plm = shift_up(lmv, s, jnp.float32(1e30))
        ptr = shift_up(trv, s, 0.0)
        ptg = shift_up(tgv, s, 0.0)
        ptb = shift_up(tbv, s, 0.0)
        pf = shift_up(f, s, 1)
        keep = f > 0
        lmv = jnp.where(keep, lmv, jnp.minimum(lmv, plm))
        trv = jnp.where(keep, trv, trv + ptr)
        tgv = jnp.where(keep, tgv, tgv + ptg)
        tbv = jnp.where(keep, tbv, tbv + ptb)
        return lmv, trv, tgv, tbv, f | pf

    lm, tr, tg, tb, _ = lax.fori_loop(0, LOG2N, scan_b,
                                      (lm, tr, tg, tb, first))

    tm = jnp.exp(lm)
    alpha = 1.0 - tm
    pos = alpha > 0.0
    denom = jnp.where(pos, alpha, 1.0)
    cr_ref[...] = jnp.where(pos, tm * tr / denom, 0.0)
    cg_ref[...] = jnp.where(pos, tm * tg / denom, 0.0)
    cb_ref[...] = jnp.where(pos, tm * tb / denom, 0.0)
    pix_ref[...] = jnp.where(last, pix, BIG)


def _pass_schedule():
    ks = []
    js = []
    for k in range(1, LOG2N + 1):
        for j in range(k - 1, -1, -1):
            ks.append(k)
            js.append(j)
    pad = 256 - len(ks)
    karr = jnp.asarray(ks + [0] * pad, jnp.int32).reshape(2, 128)
    jarr = jnp.asarray(js + [0] * pad, jnp.int32).reshape(2, 128)
    return karr, jarr


def _tc_call(pix2, nd2, a2, r2, g2, b2):
    karr, jarr = _pass_schedule()
    return pl.pallas_call(
        _tc_body,
        in_specs=[pl.BlockSpec()] * 8,
        out_shape=[
            jax.ShapeDtypeStruct((ROWS, LANES), jnp.int32),
            jax.ShapeDtypeStruct((ROWS, LANES), jnp.float32),
            jax.ShapeDtypeStruct((ROWS, LANES), jnp.float32),
            jax.ShapeDtypeStruct((ROWS, LANES), jnp.float32),
            jax.ShapeDtypeStruct((8, LANES), jnp.int32),
        ],
        compiler_params=pltpu.CompilerParams(
            vmem_limit_bytes=100 * 1024 * 1024),
    )(karr, jarr, pix2, nd2, a2, r2, g2, b2)


def _make_sc_scatter():
    mesh = plsc.VectorSubcoreMesh(core_axis_name="c", subcore_axis_name="s",
                                  num_cores=2, num_subcores=16)

    @functools.partial(
        pl.kernel,
        out_type=[jax.ShapeDtypeStruct((HW,), jnp.float32)] * 3,
        mesh=mesh,
        scratch_types=[
            pltpu.VMEM((48,), jnp.int32),
            pltpu.VMEM((CHUNK,), jnp.int32),
            pltpu.VMEM((CHUNK,), jnp.float32),
            pltpu.VMEM((CHUNK,), jnp.float32),
            pltpu.VMEM((CHUNK,), jnp.float32),
            pltpu.VMEM((PIX_PER_W + 16,), jnp.float32),
            pltpu.VMEM((PIX_PER_W + 16,), jnp.float32),
            pltpu.VMEM((PIX_PER_W + 16,), jnp.float32),
        ],
        compiler_params=pltpu.CompilerParams(needs_layout_passes=False),
    )
    def sc_scatter(pix_hbm, r_hbm, g_hbm, b_hbm, bnd_hbm, outr, outg, outb,
                   bnd_v, pix_v, rv, gv, bv, imr, img, imb):
        wid = lax.axis_index("s") * 2 + lax.axis_index("c")
        pltpu.sync_copy(bnd_hbm, bnd_v)
        start = bnd_v[pl.ds(wid, 16)][0]
        end = bnd_v[pl.ds(wid + 1, 16)][0]
        base = wid * PIX_PER_W
        zeros16 = jnp.zeros((16,), jnp.float32)

        def zbody(i, c):
            imr[pl.ds(i * 16, 16)] = zeros16
            img[pl.ds(i * 16, 16)] = zeros16
            imb[pl.ds(i * 16, 16)] = zeros16
            return c

        lax.fori_loop(0, PIX_PER_W // 16 + 1, zbody, 0)
        l16 = lax.iota(jnp.int32, 16)

        start_al = (start // 8) * 8
        nch = lax.max(jnp.int32(0), (end - start_al + CHUNK - 1) // CHUNK)

        def cbody(k, c):
            cs = pl.multiple_of(start_al + k * CHUNK, 8)
            pltpu.sync_copy(pix_hbm.at[pl.ds(cs, CHUNK)], pix_v)
            pltpu.sync_copy(r_hbm.at[pl.ds(cs, CHUNK)], rv)
            pltpu.sync_copy(g_hbm.at[pl.ds(cs, CHUNK)], gv)
            pltpu.sync_copy(b_hbm.at[pl.ds(cs, CHUNK)], bv)

            def ibody(i, c2):
                pv = pix_v[pl.ds(i * 16, 16)]
                m = (pv >= base) & (pv < base + PIX_PER_W)
                loc = jnp.where(m, pv - base, PIX_PER_W + l16)
                plsc.store_scatter(imr, [loc], rv[pl.ds(i * 16, 16)])
                plsc.store_scatter(img, [loc], gv[pl.ds(i * 16, 16)])
                plsc.store_scatter(imb, [loc], bv[pl.ds(i * 16, 16)])
                return c2

            lax.fori_loop(0, CHUNK // 16, ibody, 0)
            return c

        lax.fori_loop(0, nch, cbody, 0)
        pltpu.sync_copy(imr.at[pl.ds(0, PIX_PER_W)],
                        outr.at[pl.ds(base, PIX_PER_W)])
        pltpu.sync_copy(img.at[pl.ds(0, PIX_PER_W)],
                        outg.at[pl.ds(base, PIX_PER_W)])
        pltpu.sync_copy(imb.at[pl.ds(0, PIX_PER_W)],
                        outb.at[pl.ds(base, PIX_PER_W)])

    return sc_scatter


_sc_scatter_cache = []


def _get_sc_scatter():
    if not _sc_scatter_cache:
        _sc_scatter_cache.append(_make_sc_scatter())
    return _sc_scatter_cache[0]


def _proj_matrix():
    fov_rad = FOV * math.pi / 180.0
    fc = 1.0 / math.tan(fov_rad / 2.0)
    proj = jnp.zeros((4, 4), jnp.float32)
    proj = proj.at[0, 0].set(fc / ASPECT)
    proj = proj.at[1, 1].set(fc)
    proj = proj.at[2, 2].set((FAR + NEAR) / (NEAR - FAR))
    proj = proj.at[2, 3].set(2.0 * FAR * NEAR / (NEAR - FAR))
    proj = proj.at[3, 2].set(-1.0)
    return proj


@jax.jit
def kernel(coords, features, cam_position, cam_forward, cam_up):
    f = cam_forward / jnp.linalg.norm(cam_forward)
    r = jnp.cross(f, cam_up)
    r = r / jnp.linalg.norm(r)
    u = jnp.cross(r, f)
    view = jnp.eye(4, dtype=jnp.float32)
    view = view.at[0, :3].set(r).at[1, :3].set(u).at[2, :3].set(-f)
    t = -jnp.stack([jnp.dot(r, cam_position), jnp.dot(u, cam_position),
                    -jnp.dot(f, cam_position)])
    view = view.at[:3, 3].set(t)
    mvp = _proj_matrix() @ view

    n = coords.shape[0]
    coords_h = jnp.concatenate([coords, jnp.ones((n, 1), coords.dtype)], -1)
    clip = coords_h @ mvp.T
    ndc = clip[:, :3] / (clip[:, 3:4] + 1e-08)
    visible = ((ndc[:, 0] >= -1) & (ndc[:, 0] <= 1)
               & (ndc[:, 1] >= -1) & (ndc[:, 1] <= 1)
               & (ndc[:, 2] >= -1) & (ndc[:, 2] <= 1))
    ndc_s = jnp.nan_to_num(ndc, nan=0.0, posinf=0.0, neginf=0.0)
    sx = jnp.clip(((ndc_s[:, 0] + 1.0) / 2.0 * W).astype(jnp.int32), 0, W - 1)
    sy = jnp.clip(((1.0 - ndc_s[:, 1]) / 2.0 * H).astype(jnp.int32), 0, H - 1)
    pix_in = jnp.where(visible, sy * W + sx, BIG)
    nd_in = jnp.where(visible, -ndc_s[:, 2], 0.0)
    a_in = jnp.where(visible, features[:, 5], 0.0)

    pad = NPAD - n
    pix2 = jnp.pad(pix_in, (0, pad), constant_values=BIG).reshape(ROWS, LANES)
    nd2 = jnp.pad(nd_in, (0, pad)).reshape(ROWS, LANES)
    a2 = jnp.pad(a_in, (0, pad)).reshape(ROWS, LANES)
    r2 = jnp.pad(features[:, 0], (0, pad)).reshape(ROWS, LANES)
    g2 = jnp.pad(features[:, 1], (0, pad)).reshape(ROWS, LANES)
    b2 = jnp.pad(features[:, 2], (0, pad)).reshape(ROWS, LANES)

    pix, cr, cg, cb, bnd = _tc_call(pix2, nd2, a2, r2, g2, b2)

    pixf = jnp.concatenate([pix.reshape(-1),
                            jnp.full((CHUNK,), BIG, jnp.int32)])
    crf = jnp.concatenate([cr.reshape(-1), jnp.zeros((CHUNK,), jnp.float32)])
    cgf = jnp.concatenate([cg.reshape(-1), jnp.zeros((CHUNK,), jnp.float32)])
    cbf = jnp.concatenate([cb.reshape(-1), jnp.zeros((CHUNK,), jnp.float32)])
    bndf = jnp.concatenate([bnd.reshape(-1)[:NW + 1],
                            jnp.zeros((48 - (NW + 1),), jnp.int32)])

    outr, outg, outb = _get_sc_scatter()(pixf, crf, cgf, cbf, bndf)
    return jnp.stack([outr, outg, outb]).reshape(3, H, W)

# --- scband reference (transcript-rebuilt; emitter-appended) ---
"""Pipeline reference for scband-voxel-rasterizer-52974126629402 (READ-ONLY COPY).

The authoritative reference and input builder live on the scoring server;
editing this copy changes nothing except your own understanding.
"""

import jax, jax.numpy as jnp
import numpy as np

H = 512
W = 512
FOV = 60.0
ASPECT = 1.0
NEAR = 0.1
FAR = 100.0
ALPHA_THRESHOLD = 0.99
BACKGROUND = (0.0, 0.0, 0.0)
N = 200000


def setup_inputs(seed: int = 0):
    key = jax.random.key(seed)
    k1, k2 = jax.random.split(key)
    coords = jax.random.uniform(k1, (N, 3), dtype=jnp.float32)
    features = jax.random.uniform(k2, (N, 7), dtype=jnp.float32)
    cam_position = jnp.array([0.5, 0.5, 3.0], dtype=jnp.float32)
    cam_forward = jnp.array([0.0, 0.0, -1.0], dtype=jnp.float32)
    cam_up = jnp.array([0.0, 1.0, 0.0], dtype=jnp.float32)
    return {"coords": coords, "features": features, "cam_position": cam_position, "cam_forward": cam_forward, "cam_up": cam_up}


def _view_matrix(position, forward, up):
    f = forward / jnp.linalg.norm(forward)
    r = jnp.cross(f, up)
    r = r / jnp.linalg.norm(r)
    u = jnp.cross(r, f)
    view = jnp.eye(4, dtype=jnp.float32)
    view = view.at[0, :3].set(r)
    view = view.at[1, :3].set(u)
    view = view.at[2, :3].set(-f)
    t = -jnp.stack([jnp.dot(r, position), jnp.dot(u, position), -jnp.dot(f, position)])
    view = view.at[:3, 3].set(t)
    return view


def _proj_matrix():
    fov_rad = FOV * np.pi / 180.0
    fc = 1.0 / np.tan(fov_rad / 2.0)
    proj = jnp.zeros((4, 4), dtype=jnp.float32)
    proj = proj.at[0, 0].set(fc / ASPECT)
    proj = proj.at[1, 1].set(fc)
    proj = proj.at[2, 2].set((FAR + NEAR) / (NEAR - FAR))
    proj = proj.at[2, 3].set(2.0 * FAR * NEAR / (NEAR - FAR))
    proj = proj.at[3, 2].set(-1.0)
    return proj


def _render(coords, features, cam_position, cam_forward, cam_up):
    view = _view_matrix(cam_position, cam_forward, cam_up)
    proj = _proj_matrix()
    mvp = proj @ view
    n = coords.shape[0]
    coords_h = jnp.concatenate([coords, jnp.ones((n, 1), dtype=coords.dtype)], axis=-1)
    clip = coords_h @ mvp.T
    ndc = clip[:, :3] / (clip[:, 3:4] + 1e-08)
    visible = (ndc[:, 0] >= -1) & (ndc[:, 0] <= 1) & (ndc[:, 1] >= -1) & (ndc[:, 1] <= 1) & (ndc[:, 2] >= -1) & (ndc[:, 2] <= 1)
    ndc_s = jnp.nan_to_num(ndc, nan=0.0, posinf=0.0, neginf=0.0)
    sx = jnp.clip(((ndc_s[:, 0] + 1.0) / 2.0 * W).astype(jnp.int32), 0, W - 1)
    sy = jnp.clip(((1.0 - ndc_s[:, 1]) / 2.0 * H).astype(jnp.int32), 0, H - 1)
    depth = ndc_s[:, 2]
    pixel = jnp.where(visible, sy * W + sx, 0)
    a = jnp.where(visible, features[:, 5], 0.0)
    rgb = features[:, :3]
    # original sorts globally by depth descending; per-pixel composite order is
    # therefore depth-descending within each pixel, which lexsort reproduces
    order = jnp.lexsort((-depth, pixel))
    p_s = pixel[order]
    a_s = a[order]
    rgb_s = rgb[order]
    is_first = jnp.concatenate([jnp.array([True]), p_s[1:] != p_s[:-1]])
    is_last = jnp.concatenate([p_s[:-1] != p_s[1:], jnp.array([True])])
    bg = jnp.array(BACKGROUND, dtype=jnp.float32)

    def step(carry, inp):
        alpha, img = carry
        first, av, rgbv = inp
        alpha = jnp.where(first, 0.0, alpha)
        img = jnp.where(first, bg, img)
        do = alpha < ALPHA_THRESHOLD
        new_alpha = av + alpha * (1.0 - av)
        denom = jnp.where(new_alpha > 0, new_alpha, 1.0)
        cand = (rgbv * av + img * alpha * (1.0 - av)) / denom
        cand = jnp.where(new_alpha > 0, cand, img)
        alpha_out = jnp.where(do, new_alpha, alpha)
        img_out = jnp.where(do, cand, img)
        return (alpha_out, img_out), img_out

    (_, _), imgs = jax.lax.scan(step, (jnp.float32(0.0), bg), (is_first, a_s, rgb_s))
    scatter_pix = jnp.where(is_last, p_s, H * W)
    img_flat = jnp.tile(bg[:, None], (1, H * W))
    img_flat = img_flat.at[:, scatter_pix].set(imgs.T, mode='drop')
    return img_flat.reshape(3, H, W)


def reference(coords, features, cam_position, cam_forward, cam_up):
    return _render(coords, features, cam_position, cam_forward, cam_up)

if __name__ == "__main__":
    import jax
    _d = setup_inputs()
    print(jax.jit(kernel)(*tuple(_d.values())))

</pallas_src>

<mosaic_0001>
#map = affine_map<(d0, d1) -> (0)>
module attributes {stable_mosaic.version = 14 : i64} {
  func.func @sc_scatter(%arg0: i32, %arg1: i32, %arg2: memref<264192xi32, #tpu.memory_space<hbm>>, %arg3: memref<264192xf32, #tpu.memory_space<hbm>>, %arg4: memref<264192xf32, #tpu.memory_space<hbm>>, %arg5: memref<264192xf32, #tpu.memory_space<hbm>>, %arg6: memref<48xi32, #tpu.memory_space<hbm>>, %arg7: memref<262144xf32, #tpu.memory_space<hbm>>, %arg8: memref<262144xf32, #tpu.memory_space<hbm>>, %arg9: memref<262144xf32, #tpu.memory_space<hbm>>, %arg10: memref<48xi32, #tpu.memory_space<vmem>>, %arg11: memref<2048xi32, #tpu.memory_space<vmem>>, %arg12: memref<2048xf32, #tpu.memory_space<vmem>>, %arg13: memref<2048xf32, #tpu.memory_space<vmem>>, %arg14: memref<2048xf32, #tpu.memory_space<vmem>>, %arg15: memref<8208xf32, #tpu.memory_space<vmem>>, %arg16: memref<8208xf32, #tpu.memory_space<vmem>>, %arg17: memref<8208xf32, #tpu.memory_space<vmem>>) attributes {dimension_semantics = [#tpu.dimension_semantics<core_parallel>, #tpu.dimension_semantics<subcore_parallel>], iteration_bounds = array<i64: 2, 16>, scalar_prefetch = 0 : i64, scratch_operands = 8 : i64, tpu.core_type = #tpu.core_type<sc_vector_subcore>, window_params = [{transform_indices = #map}, {transform_indices = #map}, {transform_indices = #map}, {transform_indices = #map}, {transform_indices = #map}, {transform_indices = #map}, {transform_indices = #map}, {transform_indices = #map}]} {
    %mul3A = arith.constant 2 : i32
    %mul3A_0 = arith.muli %arg1, %mul3A : i32
    %add3A = arith.addi %mul3A_0, %arg0 : i32
    "tpu.region"() ({
      %run_scoped3A = tpu.sem_alloc : memref<!tpu.dma_semaphore, #tpu.memory_space<semaphore_mem>>
      tpu.enqueue_dma source(%arg6 : memref<48xi32, #tpu.memory_space<hbm>>) target(%arg10 : memref<48xi32, #tpu.memory_space<vmem>>) target_semaphore(%run_scoped3A : memref<!tpu.dma_semaphore, #tpu.memory_space<semaphore_mem>>)
      tpu.wait_dma2 semaphore(%run_scoped3A : memref<!tpu.dma_semaphore, #tpu.memory_space<semaphore_mem>>) src(%arg6 : memref<48xi32, #tpu.memory_space<hbm>>) dst(%arg10 : memref<48xi32, #tpu.memory_space<vmem>>)
      tpu.yield
    }) : () -> ()
    %get3A = arith.index_cast %add3A : i32 to index
    %get3A_1 = tpu.vector_load %arg10[%get3A] {strides = array<i32>} : memref<48xi32, #tpu.memory_space<vmem>>, vector<16xi32>,
    %slice3A = vector.extract_strided_slice %get3A_1 {offsets = [0], sizes = [1], strides = [1]} : vector<16xi32> to vector<1xi32>
    %squeeze3A = vector.extract %slice3A[0] : i32 from vector<1xi32>
    %add3A_2 = arith.constant 1 : i32
    %add3A_3 = arith.addi %add3A, %add3A_2 : i32
    %get3A_4 = arith.index_cast %add3A_3 : i32 to index
    %get3A_5 = tpu.vector_load %arg10[%get3A_4] {strides = array<i32>} : memref<48xi32, #tpu.memory_space<vmem>>, vector<16xi32>,
    %slice3A_6 = vector.extract_strided_slice %get3A_5 {offsets = [0], sizes = [1], strides = [1]} : vector<16xi32> to vector<1xi32>
    %squeeze3A_7 = vector.extract %slice3A_6[0] : i32 from vector<1xi32>
    %mul3A_8 = arith.constant 8192 : i32
    %mul3A_9 = arith.muli %add3A, %mul3A_8 : i32
    %broadcast_in_dim3A = arith.constant 0.000000e+00 : f32
    %broadcast_in_dim3A_10 = vector.broadcast %broadcast_in_dim3A : f32 to vector<16xf32>
    %scan3A = arith.constant 0 : i32
    %scan3A_11 = arith.constant 0 : i32
    %scan3A_12 = arith.constant 513 : i32
    %scan3A_13 = arith.addi %scan3A_11, %scan3A_12 : i32
    %scan3A_14 = arith.constant 1 : i32
    scf.for %scan3A_73 = %scan3A_11 to %scan3A_13 step %scan3A_14  : i32 {
      %mul3A_74 = arith.constant 16 : i32
      %mul3A_75 = arith.muli %scan3A_73, %mul3A_74 : i32
      %swap3A = arith.index_cast %mul3A_75 : i32 to index
      %swap3A_76 = tpu.vector_load %arg15[%swap3A] {strides = array<i32>} : memref<8208xf32, #tpu.memory_space<vmem>>, vector<16xf32>,
      tpu.vector_store %arg15[%swap3A], %broadcast_in_dim3A_10 {strides = array<i32>} : memref<8208xf32, #tpu.memory_space<vmem>>, vector<16xf32>,
      %mul3A_77 = arith.constant 16 : i32
      %mul3A_78 = arith.muli %scan3A_73, %mul3A_77 : i32
      %swap3A_79 = arith.index_cast %mul3A_78 : i32 to index
      %swap3A_80 = tpu.vector_load %arg16[%swap3A_79] {strides = array<i32>} : memref<8208xf32, #tpu.memory_space<vmem>>, vector<16xf32>,
      tpu.vector_store %arg16[%swap3A_79], %broadcast_in_dim3A_10 {strides = array<i32>} : memref<8208xf32, #tpu.memory_space<vmem>>, vector<16xf32>,
      %mul3A_81 = arith.constant 16 : i32
      %mul3A_82 = arith.muli %scan3A_73, %mul3A_81 : i32
      %swap3A_83 = arith.index_cast %mul3A_82 : i32 to index
      %swap3A_84 = tpu.vector_load %arg17[%swap3A_83] {strides = array<i32>} : memref<8208xf32, #tpu.memory_space<vmem>>, vector<16xf32>,
      tpu.vector_store %arg17[%swap3A_83], %broadcast_in_dim3A_10 {strides = array<i32>} : memref<8208xf32, #tpu.memory_space<vmem>>, vector<16xf32>,
    }
    %scan3A_15 = arith.constant 513 : i32
    %iota3A = tpu.iota {dimensions = array<i32: 0>} : vector<16xi32>
    %jit3A = arith.constant 8 : i32
    %div3A = arith.divsi %squeeze3A, %jit3A : i32
    %sign3A = arith.constant 0 : i32
    %sign3A_16 = arith.cmpi sgt, %squeeze3A, %sign3A : i32
    %sign3A_17 = arith.extui %sign3A_16 : i1 to i32
    %sign3A_18 = arith.constant 0 : i32
    %sign3A_19 = arith.cmpi slt, %squeeze3A, %sign3A_18 : i32
    %sign3A_20 = arith.extui %sign3A_19 : i1 to i32
    %sign3A_21 = arith.subi %sign3A_17, %sign3A_20 : i32
    %sign3A_22 = arith.constant 0 : i32
    %sign3A_23 = arith.cmpi sgt, %jit3A, %sign3A_22 : i32
    %sign3A_24 = arith.extui %sign3A_23 : i1 to i32
    %sign3A_25 = arith.constant 0 : i32
    %sign3A_26 = arith.cmpi slt, %jit3A, %sign3A_25 : i32
    %sign3A_27 = arith.extui %sign3A_26 : i1 to i32
    %sign3A_28 = arith.subi %sign3A_24, %sign3A_27 : i32
    %ne3A = arith.cmpi ne, %sign3A_21, %sign3A_28 : i32
    %rem3A = arith.remsi %squeeze3A, %jit3A : i32
    %ne3A_29 = arith.constant 0 : i32
    %ne3A_30 = arith.cmpi ne, %rem3A, %ne3A_29 : i32
    %and3A = arith.andi %ne3A, %ne3A_30 : i1
    %sub3A = arith.constant 1 : i32
    %sub3A_31 = arith.subi %div3A, %sub3A : i32
    %select_n3A = arith.select %and3A, %sub3A_31, %div3A : i32
    %mul3A_32 = arith.constant 8 : i32
    %mul3A_33 = arith.muli %select_n3A, %mul3A_32 : i32
    %sub3A_34 = arith.subi %squeeze3A_7, %mul3A_33 : i32
    %add3A_35 = arith.constant 2048 : i32
    %add3A_36 = arith.addi %sub3A_34, %add3A_35 : i32
    %sub3A_37 = arith.constant 1 : i32
    %sub3A_38 = arith.subi %add3A_36, %sub3A_37 : i32
    %jit3A_39 = arith.constant 2048 : i32
    %div3A_40 = arith.divsi %sub3A_38, %jit3A_39 : i32
    %sign3A_41 = arith.constant 0 : i32
    %sign3A_42 = arith.cmpi sgt, %sub3A_38, %sign3A_41 : i32
    %sign3A_43 = arith.extui %sign3A_42 : i1 to i32
    %sign3A_44 = arith.constant 0 : i32
    %sign3A_45 = arith.cmpi slt, %sub3A_38, %sign3A_44 : i32
    %sign3A_46 = arith.extui %sign3A_45 : i1 to i32
    %sign3A_47 = arith.subi %sign3A_43, %sign3A_46 : i32
    %sign3A_48 = arith.constant 0 : i32
    %sign3A_49 = arith.cmpi sgt, %jit3A_39, %sign3A_48 : i32
    %sign3A_50 = arith.extui %sign3A_49 : i1 to i32
    %sign3A_51 = arith.constant 0 : i32
    %sign3A_52 = arith.cmpi slt, %jit3A_39, %sign3A_51 : i32
    %sign3A_53 = arith.extui %sign3A_52 : i1 to i32
    %sign3A_54 = arith.subi %sign3A_50, %sign3A_53 : i32
    %ne3A_55 = arith.cmpi ne, %sign3A_47, %sign3A_54 : i32
    %rem3A_56 = arith.remsi %sub3A_38, %jit3A_39 : i32
    %ne3A_57 = arith.constant 0 : i32
    %ne3A_58 = arith.cmpi ne, %rem3A_56, %ne3A_57 : i32
    %and3A_59 = arith.andi %ne3A_55, %ne3A_58 : i1
    %sub3A_60 = arith.constant 1 : i32
    %sub3A_61 = arith.subi %div3A_40, %sub3A_60 : i32
    %select_n3A_62 = arith.select %and3A_59, %sub3A_61, %div3A_40 : i32
    %max3A = arith.constant 0 : i32
    %max3A_63 = arith.maxsi %max3A, %select_n3A_62 : i32
    %while3A = arith.constant 0 : i32
    %while3A_64 = arith.constant 0 : i32
    %while3A_65 = arith.subi %max3A_63, %while3A_64 : i32
    %while3A_66 = arith.addi %while3A_64, %while3A_65 : i32
    %while3A_67 = arith.constant 1 : i32
    %while3A_68 = arith.divsi %while3A_65, %while3A_67 : i32
    %while3A_69 = arith.muli %while3A_68, %while3A_67 : i32
    %while3A_70 = arith.addi %while3A_64, %while3A_69 : i32
    %while3A_71 = arith.constant 1 : i32
    scf.for %while3A_73 = %while3A_64 to %while3A_70 step %while3A_71  : i32 {
      %mul3A_74 = arith.constant 2048 : i32
      %mul3A_75 = arith.muli %while3A_73, %mul3A_74 : i32
      %add3A_76 = arith.addi %mul3A_33, %mul3A_75 : i32
      %multiple_of3A = tpu.assume_multiple %add3A_76, 8 : i32
      "tpu.region"() ({
        %run_scoped3A = tpu.sem_alloc : memref<!tpu.dma_semaphore, #tpu.memory_space<semaphore_mem>>
        %dma_start3A = tpu.memref_slice %arg2[%multiple_of3A] : memref<264192xi32, #tpu.memory_space<hbm>> -> memref<2048xi32, #tpu.memory_space<hbm>>
        %dma_start3A_83 = tpu.memref_slice %arg2[%multiple_of3A] : memref<264192xi32, #tpu.memory_space<hbm>> -> memref<2048xi32, #tpu.memory_space<hbm>>
        tpu.enqueue_dma source(%dma_start3A_83 : memref<2048xi32, #tpu.memory_space<hbm>>) target(%arg11 : memref<2048xi32, #tpu.memory_space<vmem>>) target_semaphore(%run_scoped3A : memref<!tpu.dma_semaphore, #tpu.memory_space<semaphore_mem>>)
        %dma_wait3A = tpu.memref_slice %arg2[%multiple_of3A] : memref<264192xi32, #tpu.memory_space<hbm>> -> memref<2048xi32, #tpu.memory_space<hbm>>
        %dma_wait3A_84 = tpu.memref_slice %arg2[%multiple_of3A] : memref<264192xi32, #tpu.memory_space<hbm>> -> memref<2048xi32, #tpu.memory_space<hbm>>
        tpu.wait_dma2 semaphore(%run_scoped3A : memref<!tpu.dma_semaphore, #tpu.memory_space<semaphore_mem>>) src(%dma_wait3A_84 : memref<2048xi32, #tpu.memory_space<hbm>>) dst(%arg11 : memref<2048xi32, #tpu.memory_space<vmem>>)
        tpu.yield
      }) : () -> ()
      "tpu.region"() ({
        %run_scoped3A = tpu.sem_alloc : memref<!tpu.dma_semaphore, #tpu.memory_space<semaphore_mem>>
        %dma_start3A = tpu.memref_slice %arg3[%multiple_of3A] : memref<264192xf32, #tpu.memory_space<hbm>> -> memref<2048xf32, #tpu.memory_space<hbm>>
        %dma_start3A_83 = tpu.memref_slice %arg3[%multiple_of3A] : memref<264192xf32, #tpu.memory_space<hbm>> -> memref<2048xf32, #tpu.memory_space<hbm>>
        tpu.enqueue_dma source(%dma_start3A_83 : memref<2048xf32, #tpu.memory_space<hbm>>) target(%arg12 : memref<2048xf32, #tpu.memory_space<vmem>>) target_semaphore(%run_scoped3A : memref<!tpu.dma_semaphore, #tpu.memory_space<semaphore_mem>>)
        %dma_wait3A = tpu.memref_slice %arg3[%multiple_of3A] : memref<264192xf32, #tpu.memory_space<hbm>> -> memref<2048xf32, #tpu.memory_space<hbm>>
        %dma_wait3A_84 = tpu.memref_slice %arg3[%multiple_of3A] : memref<264192xf32, #tpu.memory_space<hbm>> -> memref<2048xf32, #tpu.memory_space<hbm>>
        tpu.wait_dma2 semaphore(%run_scoped3A : memref<!tpu.dma_semaphore, #tpu.memory_space<semaphore_mem>>) src(%dma_wait3A_84 : memref<2048xf32, #tpu.memory_space<hbm>>) dst(%arg12 : memref<2048xf32, #tpu.memory_space<vmem>>)
        tpu.yield
      }) : () -> ()
      "tpu.region"() ({
        %run_scoped3A = tpu.sem_alloc : memref<!tpu.dma_semaphore, #tpu.memory_space<semaphore_mem>>
        %dma_start3A = tpu.memref_slice %arg4[%multiple_of3A] : memref<264192xf32, #tpu.memory_space<hbm>> -> memref<2048xf32, #tpu.memory_space<hbm>>
        %dma_start3A_83 = tpu.memref_slice %arg4[%multiple_of3A] : memref<264192xf32, #tpu.memory_space<hbm>> -> memref<2048xf32, #tpu.memory_space<hbm>>
        tpu.enqueue_dma source(%dma_start3A_83 : memref<2048xf32, #tpu.memory_space<hbm>>) target(%arg13 : memref<2048xf32, #tpu.memory_space<vmem>>) target_semaphore(%run_scoped3A : memref<!tpu.dma_semaphore, #tpu.memory_space<semaphore_mem>>)
        %dma_wait3A = tpu.memref_slice %arg4[%multiple_of3A] : memref<264192xf32, #tpu.memory_space<hbm>> -> memref<2048xf32, #tpu.memory_space<hbm>>
        %dma_wait3A_84 = tpu.memref_slice %arg4[%multiple_of3A] : memref<264192xf32, #tpu.memory_space<hbm>> -> memref<2048xf32, #tpu.memory_space<hbm>>
        tpu.wait_dma2 semaphore(%run_scoped3A : memref<!tpu.dma_semaphore, #tpu.memory_space<semaphore_mem>>) src(%dma_wait3A_84 : memref<2048xf32, #tpu.memory_space<hbm>>) dst(%arg13 : memref<2048xf32, #tpu.memory_space<vmem>>)
        tpu.yield
      }) : () -> ()
      "tpu.region"() ({
        %run_scoped3A = tpu.sem_alloc : memref<!tpu.dma_semaphore, #tpu.memory_space<semaphore_mem>>
        %dma_start3A = tpu.memref_slice %arg5[%multiple_of3A] : memref<264192xf32, #tpu.memory_space<hbm>> -> memref<2048xf32, #tpu.memory_space<hbm>>
        %dma_start3A_83 = tpu.memref_slice %arg5[%multiple_of3A] : memref<264192xf32, #tpu.memory_space<hbm>> -> memref<2048xf32, #tpu.memory_space<hbm>>
        tpu.enqueue_dma source(%dma_start3A_83 : memref<2048xf32, #tpu.memory_space<hbm>>) target(%arg14 : memref<2048xf32, #tpu.memory_space<vmem>>) target_semaphore(%run_scoped3A : memref<!tpu.dma_semaphore, #tpu.memory_space<semaphore_mem>>)
        %dma_wait3A = tpu.memref_slice %arg5[%multiple_of3A] : memref<264192xf32, #tpu.memory_space<hbm>> -> memref<2048xf32, #tpu.memory_space<hbm>>
        %dma_wait3A_84 = tpu.memref_slice %arg5[%multiple_of3A] : memref<264192xf32, #tpu.memory_space<hbm>> -> memref<2048xf32, #tpu.memory_space<hbm>>
        tpu.wait_dma2 semaphore(%run_scoped3A : memref<!tpu.dma_semaphore, #tpu.memory_space<semaphore_mem>>) src(%dma_wait3A_84 : memref<2048xf32, #tpu.memory_space<hbm>>) dst(%arg14 : memref<2048xf32, #tpu.memory_space<vmem>>)
        tpu.yield
      }) : () -> ()
      %scan3A_77 = arith.constant 0 : i32
      %scan3A_78 = arith.constant 0 : i32
      %scan3A_79 = arith.constant 128 : i32
      %scan3A_80 = arith.addi %scan3A_78, %scan3A_79 : i32
      %scan3A_81 = arith.constant 1 : i32
      scf.for %scan3A_83 = %scan3A_78 to %scan3A_80 step %scan3A_81  : i32 {
        %mul3A_84 = arith.constant 16 : i32
        %mul3A_85 = arith.muli %scan3A_83, %mul3A_84 : i32
        %get3A_86 = arith.index_cast %mul3A_85 : i32 to index
        %get3A_87 = tpu.vector_load %arg11[%get3A_86] {strides = array<i32>} : memref<2048xi32, #tpu.memory_space<vmem>>, vector<16xi32>,
        %ge3A = vector.broadcast %mul3A_9 : i32 to vector<16xi32>
        %ge3A_88 = arith.cmpi sge, %get3A_87, %ge3A : vector<16xi32>
        %add3A_89 = arith.constant 8192 : i32
        %add3A_90 = arith.addi %mul3A_9, %add3A_89 : i32
        %lt3A = vector.broadcast %add3A_90 : i32 to vector<16xi32>
        %lt3A_91 = arith.cmpi slt, %get3A_87, %lt3A : vector<16xi32>
        %and3A_92 = arith.andi %ge3A_88, %lt3A_91 : vector<16xi1>
        %sub3A_93 = vector.broadcast %mul3A_9 : i32 to vector<16xi32>
        %sub3A_94 = arith.subi %get3A_87, %sub3A_93 : vector<16xi32>
        %add3A_95 = arith.constant 8192 : i32
        %add3A_96 = vector.broadcast %add3A_95 : i32 to vector<16xi32>
        %add3A_97 = arith.addi %add3A_96, %iota3A : vector<16xi32>
        %select_n3A_98 = arith.select %and3A_92, %sub3A_94, %add3A_97 : vector<16xi1>, vector<16xi32>
        %mul3A_99 = arith.constant 16 : i32
        %mul3A_100 = arith.muli %scan3A_83, %mul3A_99 : i32
        %get3A_101 = arith.index_cast %mul3A_100 : i32 to index
        %get3A_102 = tpu.vector_load %arg12[%get3A_101] {strides = array<i32>} : memref<2048xf32, #tpu.memory_space<vmem>>, vector<16xf32>,
        tpu.vector_store_idx %arg15[%select_n3A_98], %get3A_102 : memref<8208xf32, #tpu.memory_space<vmem>>[vector<16xi32>], vector<16xf32>,
        %mul3A_103 = arith.constant 16 : i32
        %mul3A_104 = arith.muli %scan3A_83, %mul3A_103 : i32
        %get3A_105 = arith.index_cast %mul3A_104 : i32 to index
        %get3A_106 = tpu.vector_load %arg13[%get3A_105] {strides = array<i32>} : memref<2048xf32, #tpu.memory_space<vmem>>, vector<16xf32>,
        tpu.vector_store_idx %arg16[%select_n3A_98], %get3A_106 : memref<8208xf32, #tpu.memory_space<vmem>>[vector<16xi32>], vector<16xf32>,
        %mul3A_107 = arith.constant 16 : i32
        %mul3A_108 = arith.muli %scan3A_83, %mul3A_107 : i32
        %get3A_109 = arith.index_cast %mul3A_108 : i32 to index
        %get3A_110 = tpu.vector_load %arg14[%get3A_109] {strides = array<i32>} : memref<2048xf32, #tpu.memory_space<vmem>>, vector<16xf32>,
        tpu.vector_store_idx %arg17[%select_n3A_98], %get3A_110 : memref<8208xf32, #tpu.memory_space<vmem>>[vector<16xi32>], vector<16xf32>,
      }
      %scan3A_82 = arith.constant 128 : i32
    }
    %while3A_72 = arith.constant 1 : i32
    scf.for %while3A_73 = %while3A_70 to %while3A_66 step %while3A_72  : i32 {
      %mul3A_74 = arith.constant 2048 : i32
      %mul3A_75 = arith.muli %while3A_73, %mul3A_74 : i32
      %add3A_76 = arith.addi %mul3A_33, %mul3A_75 : i32
      %multiple_of3A = tpu.assume_multiple %add3A_76, 8 : i32
      "tpu.region"() ({
        %run_scoped3A = tpu.sem_alloc : memref<!tpu.dma_semaphore, #tpu.memory_space<semaphore_mem>>
        %dma_start3A = tpu.memref_slice %arg2[%multiple_of3A] : memref<264192xi32, #tpu.memory_space<hbm>> -> memref<2048xi32, #tpu.memory_space<hbm>>
        %dma_start3A_83 = tpu.memref_slice %arg2[%multiple_of3A] : memref<264192xi32, #tpu.memory_space<hbm>> -> memref<2048xi32, #tpu.memory_space<hbm>>
        tpu.enqueue_dma source(%dma_start3A_83 : memref<2048xi32, #tpu.memory_space<hbm>>) target(%arg11 : memref<2048xi32, #tpu.memory_space<vmem>>) target_semaphore(%run_scoped3A : memref<!tpu.dma_semaphore, #tpu.memory_space<semaphore_mem>>)
        %dma_wait3A = tpu.memref_slice %arg2[%multiple_of3A] : memref<264192xi32, #tpu.memory_space<hbm>> -> memref<2048xi32, #tpu.memory_space<hbm>>
        %dma_wait3A_84 = tpu.memref_slice %arg2[%multiple_of3A] : memref<264192xi32, #tpu.memory_space<hbm>> -> memref<2048xi32, #tpu.memory_space<hbm>>
        tpu.wait_dma2 semaphore(%run_scoped3A : memref<!tpu.dma_semaphore, #tpu.memory_space<semaphore_mem>>) src(%dma_wait3A_84 : memref<2048xi32, #tpu.memory_space<hbm>>) dst(%arg11 : memref<2048xi32, #tpu.memory_space<vmem>>)
        tpu.yield
      }) : () -> ()
      "tpu.region"() ({
        %run_scoped3A = tpu.sem_alloc : memref<!tpu.dma_semaphore, #tpu.memory_space<semaphore_mem>>
        %dma_start3A = tpu.memref_slice %arg3[%multiple_of3A] : memref<264192xf32, #tpu.memory_space<hbm>> -> memref<2048xf32, #tpu.memory_space<hbm>>
        %dma_start3A_83 = tpu.memref_slice %arg3[%multiple_of3A] : memref<264192xf32, #tpu.memory_space<hbm>> -> memref<2048xf32, #tpu.memory_space<hbm>>
        tpu.enqueue_dma source(%dma_start3A_83 : memref<2048xf32, #tpu.memory_space<hbm>>) target(%arg12 : memref<2048xf32, #tpu.memory_space<vmem>>) target_semaphore(%run_scoped3A : memref<!tpu.dma_semaphore, #tpu.memory_space<semaphore_mem>>)
        %dma_wait3A = tpu.memref_slice %arg3[%multiple_of3A] : memref<264192xf32, #tpu.memory_space<hbm>> -> memref<2048xf32, #tpu.memory_space<hbm>>
        %dma_wait3A_84 = tpu.memref_slice %arg3[%multiple_of3A] : memref<264192xf32, #tpu.memory_space<hbm>> -> memref<2048xf32, #tpu.memory_space<hbm>>
        tpu.wait_dma2 semaphore(%run_scoped3A : memref<!tpu.dma_semaphore, #tpu.memory_space<semaphore_mem>>) src(%dma_wait3A_84 : memref<2048xf32, #tpu.memory_space<hbm>>) dst(%arg12 : memref<2048xf32, #tpu.memory_space<vmem>>)
        tpu.yield
      }) : () -> ()
      "tpu.region"() ({
        %run_scoped3A = tpu.sem_alloc : memref<!tpu.dma_semaphore, #tpu.memory_space<semaphore_mem>>
        %dma_start3A = tpu.memref_slice %arg4[%multiple_of3A] : memref<264192xf32, #tpu.memory_space<hbm>> -> memref<2048xf32, #tpu.memory_space<hbm>>
        %dma_start3A_83 = tpu.memref_slice %arg4[%multiple_of3A] : memref<264192xf32, #tpu.memory_space<hbm>> -> memref<2048xf32, #tpu.memory_space<hbm>>
        tpu.enqueue_dma source(%dma_start3A_83 : memref<2048xf32, #tpu.memory_space<hbm>>) target(%arg13 : memref<2048xf32, #tpu.memory_space<vmem>>) target_semaphore(%run_scoped3A : memref<!tpu.dma_semaphore, #tpu.memory_space<semaphore_mem>>)
        %dma_wait3A = tpu.memref_slice %arg4[%multiple_of3A] : memref<264192xf32, #tpu.memory_space<hbm>> -> memref<2048xf32, #tpu.memory_space<hbm>>
        %dma_wait3A_84 = tpu.memref_slice %arg4[%multiple_of3A] : memref<264192xf32, #tpu.memory_space<hbm>> -> memref<2048xf32, #tpu.memory_space<hbm>>
        tpu.wait_dma2 semaphore(%run_scoped3A : memref<!tpu.dma_semaphore, #tpu.memory_space<semaphore_mem>>) src(%dma_wait3A_84 : memref<2048xf32, #tpu.memory_space<hbm>>) dst(%arg13 : memref<2048xf32, #tpu.memory_space<vmem>>)
        tpu.yield
      }) : () -> ()
      "tpu.region"() ({
        %run_scoped3A = tpu.sem_alloc : memref<!tpu.dma_semaphore, #tpu.memory_space<semaphore_mem>>
        %dma_start3A = tpu.memref_slice %arg5[%multiple_of3A] : memref<264192xf32, #tpu.memory_space<hbm>> -> memref<2048xf32, #tpu.memory_space<hbm>>
        %dma_start3A_83 = tpu.memref_slice %arg5[%multiple_of3A] : memref<264192xf32, #tpu.memory_space<hbm>> -> memref<2048xf32, #tpu.memory_space<hbm>>
        tpu.enqueue_dma source(%dma_start3A_83 : memref<2048xf32, #tpu.memory_space<hbm>>) target(%arg14 : memref<2048xf32, #tpu.memory_space<vmem>>) target_semaphore(%run_scoped3A : memref<!tpu.dma_semaphore, #tpu.memory_space<semaphore_mem>>)
        %dma_wait3A = tpu.memref_slice %arg5[%multiple_of3A] : memref<264192xf32, #tpu.memory_space<hbm>> -> memref<2048xf32, #tpu.memory_space<hbm>>
        %dma_wait3A_84 = tpu.memref_slice %arg5[%multiple_of3A] : memref<264192xf32, #tpu.memory_space<hbm>> -> memref<2048xf32, #tpu.memory_space<hbm>>
        tpu.wait_dma2 semaphore(%run_scoped3A : memref<!tpu.dma_semaphore, #tpu.memory_space<semaphore_mem>>) src(%dma_wait3A_84 : memref<2048xf32, #tpu.memory_space<hbm>>) dst(%arg14 : memref<2048xf32, #tpu.memory_space<vmem>>)
        tpu.yield
      }) : () -> ()
      %scan3A_77 = arith.constant 0 : i32
      %scan3A_78 = arith.constant 0 : i32
      %scan3A_79 = arith.constant 128 : i32
      %scan3A_80 = arith.addi %scan3A_78, %scan3A_79 : i32
      %scan3A_81 = arith.constant 1 : i32
      scf.for %scan3A_83 = %scan3A_78 to %scan3A_80 step %scan3A_81  : i32 {
        %mul3A_84 = arith.constant 16 : i32
        %mul3A_85 = arith.muli %scan3A_83, %mul3A_84 : i32
        %get3A_86 = arith.index_cast %mul3A_85 : i32 to index
        %get3A_87 = tpu.vector_load %arg11[%get3A_86] {strides = array<i32>} : memref<2048xi32, #tpu.memory_space<vmem>>, vector<16xi32>,
        %ge3A = vector.broadcast %mul3A_9 : i32 to vector<16xi32>
        %ge3A_88 = arith.cmpi sge, %get3A_87, %ge3A : vector<16xi32>
        %add3A_89 = arith.constant 8192 : i32
        %add3A_90 = arith.addi %mul3A_9, %add3A_89 : i32
        %lt3A = vector.broadcast %add3A_90 : i32 to vector<16xi32>
        %lt3A_91 = arith.cmpi slt, %get3A_87, %lt3A : vector<16xi32>
        %and3A_92 = arith.andi %ge3A_88, %lt3A_91 : vector<16xi1>
        %sub3A_93 = vector.broadcast %mul3A_9 : i32 to vector<16xi32>
        %sub3A_94 = arith.subi %get3A_87, %sub3A_93 : vector<16xi32>
        %add3A_95 = arith.constant 8192 : i32
        %add3A_96 = vector.broadcast %add3A_95 : i32 to vector<16xi32>
        %add3A_97 = arith.addi %add3A_96, %iota3A : vector<16xi32>
        %select_n3A_98 = arith.select %and3A_92, %sub3A_94, %add3A_97 : vector<16xi1>, vector<16xi32>
        %mul3A_99 = arith.constant 16 : i32
        %mul3A_100 = arith.muli %scan3A_83, %mul3A_99 : i32
        %get3A_101 = arith.index_cast %mul3A_100 : i32 to index
        %get3A_102 = tpu.vector_load %arg12[%get3A_101] {strides = array<i32>} : memref<2048xf32, #tpu.memory_space<vmem>>, vector<16xf32>,
        tpu.vector_store_idx %arg15[%select_n3A_98], %get3A_102 : memref<8208xf32, #tpu.memory_space<vmem>>[vector<16xi32>], vector<16xf32>,
        %mul3A_103 = arith.constant 16 : i32
        %mul3A_104 = arith.muli %scan3A_83, %mul3A_103 : i32
        %get3A_105 = arith.index_cast %mul3A_104 : i32 to index
        %get3A_106 = tpu.vector_load %arg13[%get3A_105] {strides = array<i32>} : memref<2048xf32, #tpu.memory_space<vmem>>, vector<16xf32>,
        tpu.vector_store_idx %arg16[%select_n3A_98], %get3A_106 : memref<8208xf32, #tpu.memory_space<vmem>>[vector<16xi32>], vector<16xf32>,
        %mul3A_107 = arith.constant 16 : i32
        %mul3A_108 = arith.muli %scan3A_83, %mul3A_107 : i32
        %get3A_109 = arith.index_cast %mul3A_108 : i32 to index
        %get3A_110 = tpu.vector_load %arg14[%get3A_109] {strides = array<i32>} : memref<2048xf32, #tpu.memory_space<vmem>>, vector<16xf32>,
        tpu.vector_store_idx %arg17[%select_n3A_98], %get3A_110 : memref<8208xf32, #tpu.memory_space<vmem>>[vector<16xi32>], vector<16xf32>,
      }
      %scan3A_82 = arith.constant 128 : i32
    }
    "tpu.region"() ({
      %run_scoped3A = tpu.sem_alloc : memref<!tpu.dma_semaphore, #tpu.memory_space<semaphore_mem>>
      %dma_start3A = arith.constant 0 : i32
      %dma_start3A_73 = tpu.memref_slice %arg15[%dma_start3A] : memref<8208xf32, #tpu.memory_space<vmem>> -> memref<8192xf32, #tpu.memory_space<vmem>>
      %dma_start3A_74 = tpu.memref_slice %arg7[%mul3A_9] : memref<262144xf32, #tpu.memory_space<hbm>> -> memref<8192xf32, #tpu.memory_space<hbm>>
      %dma_start3A_75 = tpu.memref_slice %arg7[%mul3A_9] : memref<262144xf32, #tpu.memory_space<hbm>> -> memref<8192xf32, #tpu.memory_space<hbm>>
      %dma_start3A_76 = arith.constant 0 : i32
      %dma_start3A_77 = tpu.memref_slice %arg15[%dma_start3A_76] : memref<8208xf32, #tpu.memory_space<vmem>> -> memref<8192xf32, #tpu.memory_space<vmem>>
      tpu.enqueue_dma source(%dma_start3A_77 : memref<8192xf32, #tpu.memory_space<vmem>>) target(%dma_start3A_75 : memref<8192xf32, #tpu.memory_space<hbm>>) target_semaphore(%run_scoped3A : memref<!tpu.dma_semaphore, #tpu.memory_space<semaphore_mem>>)
      %dma_wait3A = arith.constant 0 : i32
      %dma_wait3A_78 = tpu.memref_slice %arg15[%dma_wait3A] : memref<8208xf32, #tpu.memory_space<vmem>> -> memref<8192xf32, #tpu.memory_space<vmem>>
      %dma_wait3A_79 = tpu.memref_slice %arg7[%mul3A_9] : memref<262144xf32, #tpu.memory_space<hbm>> -> memref<8192xf32, #tpu.memory_space<hbm>>
      %dma_wait3A_80 = tpu.memref_slice %arg7[%mul3A_9] : memref<262144xf32, #tpu.memory_space<hbm>> -> memref<8192xf32, #tpu.memory_space<hbm>>
      %dma_wait3A_81 = arith.constant 0 : i32
      %dma_wait3A_82 = tpu.memref_slice %arg15[%dma_wait3A_81] : memref<8208xf32, #tpu.memory_space<vmem>> -> memref<8192xf32, #tpu.memory_space<vmem>>
      tpu.wait_dma2 semaphore(%run_scoped3A : memref<!tpu.dma_semaphore, #tpu.memory_space<semaphore_mem>>) src(%dma_wait3A_82 : memref<8192xf32, #tpu.memory_space<vmem>>) dst(%dma_wait3A_80 : memref<8192xf32, #tpu.memory_space<hbm>>)
      tpu.yield
    }) : () -> ()
    "tpu.region"() ({
      %run_scoped3A = tpu.sem_alloc : memref<!tpu.dma_semaphore, #tpu.memory_space<semaphore_mem>>
      %dma_start3A = arith.constant 0 : i32
      %dma_start3A_73 = tpu.memref_slice %arg16[%dma_start3A] : memref<8208xf32, #tpu.memory_space<vmem>> -> memref<8192xf32, #tpu.memory_space<vmem>>
      %dma_start3A_74 = tpu.memref_slice %arg8[%mul3A_9] : memref<262144xf32, #tpu.memory_space<hbm>> -> memref<8192xf32, #tpu.memory_space<hbm>>
      %dma_start3A_75 = tpu.memref_slice %arg8[%mul3A_9] : memref<262144xf32, #tpu.memory_space<hbm>> -> memref<8192xf32, #tpu.memory_space<hbm>>
      %dma_start3A_76 = arith.constant 0 : i32
      %dma_start3A_77 = tpu.memref_slice %arg16[%dma_start3A_76] : memref<8208xf32, #tpu.memory_space<vmem>> -> memref<8192xf32, #tpu.memory_space<vmem>>
      tpu.enqueue_dma source(%dma_start3A_77 : memref<8192xf32, #tpu.memory_space<vmem>>) target(%dma_start3A_75 : memref<8192xf32, #tpu.memory_space<hbm>>) target_semaphore(%run_scoped3A : memref<!tpu.dma_semaphore, #tpu.memory_space<semaphore_mem>>)
      %dma_wait3A = arith.constant 0 : i32
      %dma_wait3A_78 = tpu.memref_slice %arg16[%dma_wait3A] : memref<8208xf32, #tpu.memory_space<vmem>> -> memref<8192xf32, #tpu.memory_space<vmem>>
      %dma_wait3A_79 = tpu.memref_slice %arg8[%mul3A_9] : memref<262144xf32, #tpu.memory_space<hbm>> -> memref<8192xf32, #tpu.memory_space<hbm>>
      %dma_wait3A_80 = tpu.memref_slice %arg8[%mul3A_9] : memref<262144xf32, #tpu.memory_space<hbm>> -> memref<8192xf32, #tpu.memory_space<hbm>>
      %dma_wait3A_81 = arith.constant 0 : i32
      %dma_wait3A_82 = tpu.memref_slice %arg16[%dma_wait3A_81] : memref<8208xf32, #tpu.memory_space<vmem>> -> memref<8192xf32, #tpu.memory_space<vmem>>
      tpu.wait_dma2 semaphore(%run_scoped3A : memref<!tpu.dma_semaphore, #tpu.memory_space<semaphore_mem>>) src(%dma_wait3A_82 : memref<8192xf32, #tpu.memory_space<vmem>>) dst(%dma_wait3A_80 : memref<8192xf32, #tpu.memory_space<hbm>>)
      tpu.yield
    }) : () -> ()
    "tpu.region"() ({
      %run_scoped3A = tpu.sem_alloc : memref<!tpu.dma_semaphore, #tpu.memory_space<semaphore_mem>>
      %dma_start3A = arith.constant 0 : i32
      %dma_start3A_73 = tpu.memref_slice %arg17[%dma_start3A] : memref<8208xf32, #tpu.memory_space<vmem>> -> memref<8192xf32, #tpu.memory_space<vmem>>
      %dma_start3A_74 = tpu.memref_slice %arg9[%mul3A_9] : memref<262144xf32, #tpu.memory_space<hbm>> -> memref<8192xf32, #tpu.memory_space<hbm>>
      %dma_start3A_75 = tpu.memref_slice %arg9[%mul3A_9] : memref<262144xf32, #tpu.memory_space<hbm>> -> memref<8192xf32, #tpu.memory_space<hbm>>
      %dma_start3A_76 = arith.constant 0 : i32
      %dma_start3A_77 = tpu.memref_slice %arg17[%dma_start3A_76] : memref<8208xf32, #tpu.memory_space<vmem>> -> memref<8192xf32, #tpu.memory_space<vmem>>
      tpu.enqueue_dma source(%dma_start3A_77 : memref<8192xf32, #tpu.memory_space<vmem>>) target(%dma_start3A_75 : memref<8192xf32, #tpu.memory_space<hbm>>) target_semaphore(%run_scoped3A : memref<!tpu.dma_semaphore, #tpu.memory_space<semaphore_mem>>)
      %dma_wait3A = arith.constant 0 : i32
      %dma_wait3A_78 = tpu.memref_slice %arg17[%dma_wait3A] : memref<8208xf32, #tpu.memory_space<vmem>> -> memref<8192xf32, #tpu.memory_space<vmem>>
      %dma_wait3A_79 = tpu.memref_slice %arg9[%mul3A_9] : memref<262144xf32, #tpu.memory_space<hbm>> -> memref<8192xf32, #tpu.memory_space<hbm>>
      %dma_wait3A_80 = tpu.memref_slice %arg9[%mul3A_9] : memref<262144xf32, #tpu.memory_space<hbm>> -> memref<8192xf32, #tpu.memory_space<hbm>>
      %dma_wait3A_81 = arith.constant 0 : i32
      %dma_wait3A_82 = tpu.memref_slice %arg17[%dma_wait3A_81] : memref<8208xf32, #tpu.memory_space<vmem>> -> memref<8192xf32, #tpu.memory_space<vmem>>
      tpu.wait_dma2 semaphore(%run_scoped3A : memref<!tpu.dma_semaphore, #tpu.memory_space<semaphore_mem>>) src(%dma_wait3A_82 : memref<8192xf32, #tpu.memory_space<vmem>>) dst(%dma_wait3A_80 : memref<8192xf32, #tpu.memory_space<hbm>>)
      tpu.yield
    }) : () -> ()
    return
  }
}

module attributes {stable_mosaic.version = 14 : i64} {
  func.func @_tc_body(%arg0: memref<2x128xi32, #tpu.memory_space<vmem>>, %arg1: memref<2x128xi32, #tpu.memory_space<vmem>>, %arg2: memref<2048x128xi32, #tpu.memory_space<vmem>>, %arg3: memref<2048x128xf32, #tpu.memory_space<vmem>>, %arg4: memref<2048x128xf32, #tpu.memory_space<vmem>>, %arg5: memref<2048x128xf32, #tpu.memory_space<vmem>>, %arg6: memref<2048x128xf32, #tpu.memory_space<vmem>>, %arg7: memref<2048x128xf32, #tpu.memory_space<vmem>>, %arg8: memref<2048x128xi32, #tpu.memory_space<vmem>>, %arg9: memref<2048x128xf32, #tpu.memory_space<vmem>>, %arg10: memref<2048x128xf32, #tpu.memory_space<vmem>>, %arg11: memref<2048x128xf32, #tpu.memory_space<vmem>>, %arg12: memref<8x128xi32, #tpu.memory_space<vmem>>) attributes {dimension_semantics = [], scalar_prefetch = 0 : i64, scratch_operands = 0 : i64, tpu.core_type = #tpu.core_type<tc>} {
    %iota3A = tpu.iota {dimensions = array<i32: 0>} : vector<2048x128xi32>
    %iota3A_0 = tpu.iota {dimensions = array<i32: 1>} : vector<2048x128xi32>
    %mul3A = arith.constant 128 : i32
    %mul3A_1 = vector.broadcast %mul3A : i32 to vector<2048x128xi32>
    %mul3A_2 = arith.muli %iota3A, %mul3A_1 : vector<2048x128xi32>
    %add3A = arith.addi %mul3A_2, %iota3A_0 : vector<2048x128xi32>
    %get3A = arith.constant 0 : index
    %get3A_3 = arith.constant 0 : index
    %get3A_4 = vector.load %arg2[%get3A, %get3A_3] : memref<2048x128xi32, #tpu.memory_space<vmem>>, vector<2048x128xi32>
    %get3A_5 = arith.constant 0 : index
    %get3A_6 = arith.constant 0 : index
    %get3A_7 = vector.load %arg3[%get3A_5, %get3A_6] : memref<2048x128xf32, #tpu.memory_space<vmem>>, vector<2048x128xf32>
    %get3A_8 = arith.constant 0 : index
    %get3A_9 = arith.constant 0 : index
    %get3A_10 = vector.load %arg4[%get3A_8, %get3A_9] : memref<2048x128xf32, #tpu.memory_space<vmem>>, vector<2048x128xf32>
    %min3A = arith.constant 0.99999994 : f32
    %min3A_11 = vector.broadcast %min3A : f32 to vector<2048x128xf32>
    %min3A_12 = arith.minimumf %get3A_10, %min3A_11 : vector<2048x128xf32>
    %get3A_13 = arith.constant 0 : index
    %get3A_14 = arith.constant 0 : index
    %get3A_15 = vector.load %arg5[%get3A_13, %get3A_14] : memref<2048x128xf32, #tpu.memory_space<vmem>>, vector<2048x128xf32>
    %get3A_16 = arith.constant 0 : index
    %get3A_17 = arith.constant 0 : index
    %get3A_18 = vector.load %arg6[%get3A_16, %get3A_17] : memref<2048x128xf32, #tpu.memory_space<vmem>>, vector<2048x128xf32>
    %get3A_19 = arith.constant 0 : index
    %get3A_20 = arith.constant 0 : index
    %get3A_21 = vector.load %arg7[%get3A_19, %get3A_20] : memref<2048x128xf32, #tpu.memory_space<vmem>>, vector<2048x128xf32>
    %get3A_22 = arith.constant 0 : index
    %get3A_23 = arith.constant 0 : index
    %get3A_24 = vector.load %arg0[%get3A_22, %get3A_23] : memref<2x128xi32, #tpu.memory_space<vmem>>, vector<2x128xi32>
    %get3A_25 = arith.constant 0 : index
    %get3A_26 = arith.constant 0 : index
    %get3A_27 = vector.load %arg1[%get3A_25, %get3A_26] : memref<2x128xi32, #tpu.memory_space<vmem>>, vector<2x128xi32>
    %iota3A_28 = tpu.iota {dimensions = array<i32: 0>} : vector<2x128xi32>
    %mul3A_29 = arith.constant 128 : i32
    %mul3A_30 = vector.broadcast %mul3A_29 : i32 to vector<2x128xi32>
    %mul3A_31 = arith.muli %iota3A_28, %mul3A_30 : vector<2x128xi32>
    %iota3A_32 = tpu.iota {dimensions = array<i32: 1>} : vector<2x128xi32>
    %add3A_33 = arith.addi %mul3A_31, %iota3A_32 : vector<2x128xi32>
    %scan3A = arith.constant 0 : i32
    %scan3A_34 = arith.constant 171 : i32
    %scan3A_35 = arith.addi %scan3A, %scan3A_34 : i32
    %scan3A_36 = arith.constant 1 : i32
    %scan3A_37:7 = scf.for %scan3A_150 = %scan3A to %scan3A_35 step %scan3A_36 iter_args(%scan3A_151 = %get3A_4, %scan3A_152 = %get3A_7, %scan3A_153 = %add3A, %scan3A_154 = %min3A_12, %scan3A_155 = %get3A_15, %scan3A_156 = %get3A_18, %scan3A_157 = %get3A_21) -> (vector<2048x128xi32>, vector<2048x128xf32>, vector<2048x128xi32>, vector<2048x128xf32>, vector<2048x128xf32>, vector<2048x128xf32>, vector<2048x128xf32>)  : i32 {
      %eq3A = vector.broadcast %scan3A_150 : i32 to vector<2x128xi32>
      %eq3A_158 = arith.cmpi eq, %add3A_33, %eq3A : vector<2x128xi32>
      %jit3A_159 = arith.constant 0 : i32
      %broadcast_in_dim3A_160 = vector.broadcast %jit3A_159 : i32 to vector<2x128xi32>
      %select_n3A_161 = arith.select %eq3A_158, %get3A_24, %broadcast_in_dim3A_160 : vector<2x128xi1>, vector<2x128xi32>
      %reduce_sum3A = vector.shape_cast %select_n3A_161 : vector<2x128xi32> to vector<1x2x128xi32>
      %reduce_sum3A_162 = arith.constant dense<0> : vector<1xi32>
      %reduce_sum3A_163 = vector.multi_reduction <add>, %reduce_sum3A, %reduce_sum3A_162 [1, 2] : vector<1x2x128xi32> to vector<1xi32>
      %reduce_sum3A_164 = vector.shape_cast %reduce_sum3A_163 : vector<1xi32> to vector<1x1x1xi32>
      %reduce_sum3A_165 = vector.extract %reduce_sum3A_164[0, 0, 0] : i32 from vector<1x1x1xi32>
      %eq3A_166 = vector.broadcast %scan3A_150 : i32 to vector<2x128xi32>
      %eq3A_167 = arith.cmpi eq, %add3A_33, %eq3A_166 : vector<2x128xi32>
      %jit3A_168 = arith.constant 0 : i32
      %broadcast_in_dim3A_169 = vector.broadcast %jit3A_168 : i32 to vector<2x128xi32>
      %select_n3A_170 = arith.select %eq3A_167, %get3A_27, %broadcast_in_dim3A_169 : vector<2x128xi1>, vector<2x128xi32>
      %reduce_sum3A_171 = vector.shape_cast %select_n3A_170 : vector<2x128xi32> to vector<1x2x128xi32>
      %reduce_sum3A_172 = arith.constant dense<0> : vector<1xi32>
      %reduce_sum3A_173 = vector.multi_reduction <add>, %reduce_sum3A_171, %reduce_sum3A_172 [1, 2] : vector<1x2x128xi32> to vector<1xi32>
      %reduce_sum3A_174 = vector.shape_cast %reduce_sum3A_173 : vector<1xi32> to vector<1x1x1xi32>
      %reduce_sum3A_175 = vector.extract %reduce_sum3A_174[0, 0, 0] : i32 from vector<1x1x1xi32>
      %shift_right_arithmetic3A = vector.broadcast %reduce_sum3A_165 : i32 to vector<2048x128xi32>
      %shift_right_arithmetic3A_176 = arith.shrsi %add3A, %shift_right_arithmetic3A : vector<2048x128xi32>
      %and3A = arith.constant 1 : i32
      %and3A_177 = vector.broadcast %and3A : i32 to vector<2048x128xi32>
      %and3A_178 = arith.andi %shift_right_arithmetic3A_176, %and3A_177 : vector<2048x128xi32>
      %eq3A_179 = arith.constant 1 : i32
      %eq3A_180 = vector.broadcast %eq3A_179 : i32 to vector<2048x128xi32>
      %eq3A_181 = arith.cmpi eq, %and3A_178, %eq3A_180 : vector<2048x128xi32>
      %shift_right_arithmetic3A_182 = vector.broadcast %reduce_sum3A_175 : i32 to vector<2048x128xi32>
      %shift_right_arithmetic3A_183 = arith.shrsi %add3A, %shift_right_arithmetic3A_182 : vector<2048x128xi32>
      %and3A_184 = arith.constant 1 : i32
      %and3A_185 = vector.broadcast %and3A_184 : i32 to vector<2048x128xi32>
      %and3A_186 = arith.andi %shift_right_arithmetic3A_183, %and3A_185 : vector<2048x128xi32>
      %eq3A_187 = arith.constant 1 : i32
      %eq3A_188 = vector.broadcast %eq3A_187 : i32 to vector<2048x128xi32>
      %eq3A_189 = arith.cmpi eq, %and3A_186, %eq3A_188 : vector<2048x128xi32>
      %shift_left3A = arith.constant 1 : i32
      %shift_left3A_190 = arith.shli %shift_left3A, %reduce_sum3A_175 : i32
      %sub3A_191 = arith.constant 7 : i32
      %sub3A_192 = arith.subi %reduce_sum3A_175, %sub3A_191 : i32
      %max3A = arith.constant 0 : i32
      %max3A_193 = arith.maxsi %sub3A_192, %max3A : i32
      %shift_left3A_194 = arith.constant 1 : i32
      %shift_left3A_195 = arith.shli %shift_left3A_194, %max3A_193 : i32
      %lt3A_196 = arith.constant 7 : i32
      %lt3A_197 = arith.cmpi slt, %reduce_sum3A_175, %lt3A_196 : i32
      %convert_element_type3A_198 = arith.extui %lt3A_197 : i1 to i32
      %cond3A = arith.constant 0 : i32
      %cond3A_199 = arith.cmpi ne, %convert_element_type3A_198, %cond3A : i32
      %cond3A_200:14 = scf.if %cond3A_199 -> (vector<2048x128xi32>, vector<2048x128xf32>, vector<2048x128xi32>, vector<2048x128xf32>, vector<2048x128xf32>, vector<2048x128xf32>, vector<2048x128xf32>, vector<2048x128xi32>, vector<2048x128xf32>, vector<2048x128xi32>, vector<2048x128xf32>, vector<2048x128xf32>, vector<2048x128xf32>, vector<2048x128xf32>) {
        %sub3A_232 = arith.constant 128 : i32
        %sub3A_233 = arith.subi %sub3A_232, %shift_left3A_190 : i32
        %roll3A_234 = tpu.dynamic_rotate %scan3A_151 by %sub3A_233 dim 1 : vector<2048x128xi32>, i32 -> vector<2048x128xi32>
        %roll3A_235 = tpu.dynamic_rotate %scan3A_152 by %sub3A_233 dim 1 : vector<2048x128xf32>, i32 -> vector<2048x128xf32>
        %roll3A_236 = tpu.dynamic_rotate %scan3A_153 by %sub3A_233 dim 1 : vector<2048x128xi32>, i32 -> vector<2048x128xi32>
        %roll3A_237 = tpu.dynamic_rotate %scan3A_154 by %sub3A_233 dim 1 : vector<2048x128xf32>, i32 -> vector<2048x128xf32>
        %roll3A_238 = tpu.dynamic_rotate %scan3A_155 by %sub3A_233 dim 1 : vector<2048x128xf32>, i32 -> vector<2048x128xf32>
        %roll3A_239 = tpu.dynamic_rotate %scan3A_156 by %sub3A_233 dim 1 : vector<2048x128xf32>, i32 -> vector<2048x128xf32>
        %roll3A_240 = tpu.dynamic_rotate %scan3A_157 by %sub3A_233 dim 1 : vector<2048x128xf32>, i32 -> vector<2048x128xf32>
        %roll3A_241 = tpu.dynamic_rotate %scan3A_151 by %shift_left3A_190 dim 1 : vector<2048x128xi32>, i32 -> vector<2048x128xi32>
        %roll3A_242 = tpu.dynamic_rotate %scan3A_152 by %shift_left3A_190 dim 1 : vector<2048x128xf32>, i32 -> vector<2048x128xf32>
        %roll3A_243 = tpu.dynamic_rotate %scan3A_153 by %shift_left3A_190 dim 1 : vector<2048x128xi32>, i32 -> vector<2048x128xi32>
        %roll3A_244 = tpu.dynamic_rotate %scan3A_154 by %shift_left3A_190 dim 1 : vector<2048x128xf32>, i32 -> vector<2048x128xf32>
        %roll3A_245 = tpu.dynamic_rotate %scan3A_155 by %shift_left3A_190 dim 1 : vector<2048x128xf32>, i32 -> vector<2048x128xf32>
        %roll3A_246 = tpu.dynamic_rotate %scan3A_156 by %shift_left3A_190 dim 1 : vector<2048x128xf32>, i32 -> vector<2048x128xf32>
        %roll3A_247 = tpu.dynamic_rotate %scan3A_157 by %shift_left3A_190 dim 1 : vector<2048x128xf32>, i32 -> vector<2048x128xf32>
        scf.yield %roll3A_234, %roll3A_235, %roll3A_236, %roll3A_237, %roll3A_238, %roll3A_239, %roll3A_240, %roll3A_241, %roll3A_242, %roll3A_243, %roll3A_244, %roll3A_245, %roll3A_246, %roll3A_247 : vector<2048x128xi32>, vector<2048x128xf32>, vector<2048x128xi32>, vector<2048x128xf32>, vector<2048x128xf32>, vector<2048x128xf32>, vector<2048x128xf32>, vector<2048x128xi32>, vector<2048x128xf32>, vector<2048x128xi32>, vector<2048x128xf32>, vector<2048x128xf32>, vector<2048x128xf32>, vector<2048x128xf32>
      } else {
        %sub3A_232 = arith.constant 2048 : i32
        %sub3A_233 = arith.subi %sub3A_232, %shift_left3A_195 : i32
        %roll3A_234 = tpu.dynamic_rotate %scan3A_151 by %sub3A_233 dim 0 : vector<2048x128xi32>, i32 -> vector<2048x128xi32>
        %roll3A_235 = tpu.dynamic_rotate %scan3A_152 by %sub3A_233 dim 0 : vector<2048x128xf32>, i32 -> vector<2048x128xf32>
        %roll3A_236 = tpu.dynamic_rotate %scan3A_153 by %sub3A_233 dim 0 : vector<2048x128xi32>, i32 -> vector<2048x128xi32>
        %roll3A_237 = tpu.dynamic_rotate %scan3A_154 by %sub3A_233 dim 0 : vector<2048x128xf32>, i32 -> vector<2048x128xf32>
        %roll3A_238 = tpu.dynamic_rotate %scan3A_155 by %sub3A_233 dim 0 : vector<2048x128xf32>, i32 -> vector<2048x128xf32>
        %roll3A_239 = tpu.dynamic_rotate %scan3A_156 by %sub3A_233 dim 0 : vector<2048x128xf32>, i32 -> vector<2048x128xf32>
        %roll3A_240 = tpu.dynamic_rotate %scan3A_157 by %sub3A_233 dim 0 : vector<2048x128xf32>, i32 -> vector<2048x128xf32>
        %roll3A_241 = tpu.dynamic_rotate %scan3A_151 by %shift_left3A_195 dim 0 : vector<2048x128xi32>, i32 -> vector<2048x128xi32>
        %roll3A_242 = tpu.dynamic_rotate %scan3A_152 by %shift_left3A_195 dim 0 : vector<2048x128xf32>, i32 -> vector<2048x128xf32>
        %roll3A_243 = tpu.dynamic_rotate %scan3A_153 by %shift_left3A_195 dim 0 : vector<2048x128xi32>, i32 -> vector<2048x128xi32>
        %roll3A_244 = tpu.dynamic_rotate %scan3A_154 by %shift_left3A_195 dim 0 : vector<2048x128xf32>, i32 -> vector<2048x128xf32>
        %roll3A_245 = tpu.dynamic_rotate %scan3A_155 by %shift_left3A_195 dim 0 : vector<2048x128xf32>, i32 -> vector<2048x128xf32>
        %roll3A_246 = tpu.dynamic_rotate %scan3A_156 by %shift_left3A_195 dim 0 : vector<2048x128xf32>, i32 -> vector<2048x128xf32>
        %roll3A_247 = tpu.dynamic_rotate %scan3A_157 by %shift_left3A_195 dim 0 : vector<2048x128xf32>, i32 -> vector<2048x128xf32>
        scf.yield %roll3A_234, %roll3A_235, %roll3A_236, %roll3A_237, %roll3A_238, %roll3A_239, %roll3A_240, %roll3A_241, %roll3A_242, %roll3A_243, %roll3A_244, %roll3A_245, %roll3A_246, %roll3A_247 : vector<2048x128xi32>, vector<2048x128xf32>, vector<2048x128xi32>, vector<2048x128xf32>, vector<2048x128xf32>, vector<2048x128xf32>, vector<2048x128xf32>, vector<2048x128xi32>, vector<2048x128xf32>, vector<2048x128xi32>, vector<2048x128xf32>, vector<2048x128xf32>, vector<2048x128xf32>, vector<2048x128xf32>
      }
      %select_n3A_201 = arith.select %eq3A_189, %cond3A_200#7, %cond3A_200#0 : vector<2048x128xi1>, vector<2048x128xi32>
      %select_n3A_202 = arith.select %eq3A_189, %cond3A_200#8, %cond3A_200#1 : vector<2048x128xi1>, vector<2048x128xf32>
      %select_n3A_203 = arith.select %eq3A_189, %cond3A_200#9, %cond3A_200#2 : vector<2048x128xi1>, vector<2048x128xi32>
      %select_n3A_204 = arith.select %eq3A_189, %cond3A_200#10, %cond3A_200#3 : vector<2048x128xi1>, vector<2048x128xf32>
      %select_n3A_205 = arith.select %eq3A_189, %cond3A_200#11, %cond3A_200#4 : vector<2048x128xi1>, vector<2048x128xf32>
      %select_n3A_206 = arith.select %eq3A_189, %cond3A_200#12, %cond3A_200#5 : vector<2048x128xi1>, vector<2048x128xf32>
      %select_n3A_207 = arith.select %eq3A_189, %cond3A_200#13, %cond3A_200#6 : vector<2048x128xi1>, vector<2048x128xf32>
      %select_n3A_208 = arith.select %eq3A_189, %select_n3A_201, %scan3A_151 : vector<2048x128xi1>, vector<2048x128xi32>
      %select_n3A_209 = arith.select %eq3A_189, %scan3A_151, %select_n3A_201 : vector<2048x128xi1>, vector<2048x128xi32>
      %select_n3A_210 = arith.select %eq3A_189, %select_n3A_202, %scan3A_152 : vector<2048x128xi1>, vector<2048x128xf32>
      %select_n3A_211 = arith.select %eq3A_189, %scan3A_152, %select_n3A_202 : vector<2048x128xi1>, vector<2048x128xf32>
      %select_n3A_212 = arith.select %eq3A_189, %select_n3A_203, %scan3A_153 : vector<2048x128xi1>, vector<2048x128xi32>
      %select_n3A_213 = arith.select %eq3A_189, %scan3A_153, %select_n3A_203 : vector<2048x128xi1>, vector<2048x128xi32>
      %lt3A_214 = arith.cmpi slt, %select_n3A_208, %select_n3A_209 : vector<2048x128xi32>
      %eq3A_215 = arith.cmpi eq, %select_n3A_208, %select_n3A_209 : vector<2048x128xi32>
      %lt3A_216 = arith.cmpf olt, %select_n3A_210, %select_n3A_211 : vector<2048x128xf32>
      %eq3A_217 = arith.cmpf oeq, %select_n3A_210, %select_n3A_211 : vector<2048x128xf32>
      %lt3A_218 = arith.cmpi slt, %select_n3A_212, %select_n3A_213 : vector<2048x128xi32>
      %and3A_219 = arith.andi %eq3A_217, %lt3A_218 : vector<2048x128xi1>
      %or3A = arith.ori %lt3A_216, %and3A_219 : vector<2048x128xi1>
      %and3A_220 = arith.andi %eq3A_215, %or3A : vector<2048x128xi1>
      %or3A_221 = arith.ori %lt3A_214, %and3A_220 : vector<2048x128xi1>
      %eq3A_222 = arith.xori %or3A_221, %eq3A_181 : vector<2048x128xi1>
      %eq3A_223 = arith.constant dense<true> : vector<2048x128xi1>
      %eq3A_224 = arith.xori %eq3A_222, %eq3A_223 : vector<2048x128xi1>
      %select_n3A_225 = arith.select %eq3A_224, %select_n3A_201, %scan3A_151 : vector<2048x128xi1>, vector<2048x128xi32>
      %select_n3A_226 = arith.select %eq3A_224, %select_n3A_202, %scan3A_152 : vector<2048x128xi1>, vector<2048x128xf32>
      %select_n3A_227 = arith.select %eq3A_224, %select_n3A_203, %scan3A_153 : vector<2048x128xi1>, vector<2048x128xi32>
      %select_n3A_228 = arith.select %eq3A_224, %select_n3A_204, %scan3A_154 : vector<2048x128xi1>, vector<2048x128xf32>
      %select_n3A_229 = arith.select %eq3A_224, %select_n3A_205, %scan3A_155 : vector<2048x128xi1>, vector<2048x128xf32>
      %select_n3A_230 = arith.select %eq3A_224, %select_n3A_206, %scan3A_156 : vector<2048x128xi1>, vector<2048x128xf32>
      %select_n3A_231 = arith.select %eq3A_224, %select_n3A_207, %scan3A_157 : vector<2048x128xi1>, vector<2048x128xf32>
      scf.yield %select_n3A_225, %select_n3A_226, %select_n3A_227, %select_n3A_228, %select_n3A_229, %select_n3A_230, %select_n3A_231 : vector<2048x128xi32>, vector<2048x128xf32>, vector<2048x128xi32>, vector<2048x128xf32>, vector<2048x128xf32>, vector<2048x128xf32>, vector<2048x128xf32>
    }
    %scan3A_38 = arith.constant 171 : i32
    %iota3A_39 = tpu.iota {dimensions = array<i32: 0>} : vector<8x128xi32>
    %mul3A_40 = arith.constant 128 : i32
    %mul3A_41 = vector.broadcast %mul3A_40 : i32 to vector<8x128xi32>
    %mul3A_42 = arith.muli %iota3A_39, %mul3A_41 : vector<8x128xi32>
    %iota3A_43 = tpu.iota {dimensions = array<i32: 1>} : vector<8x128xi32>
    %add3A_44 = arith.addi %mul3A_42, %iota3A_43 : vector<8x128xi32>
    %broadcast_in_dim3A = arith.constant 0 : i32
    %broadcast_in_dim3A_45 = vector.broadcast %broadcast_in_dim3A : i32 to vector<8x128xi32>
    %scan3A_46 = arith.constant 0 : i32
    %scan3A_47 = arith.constant 33 : i32
    %scan3A_48 = arith.addi %scan3A_46, %scan3A_47 : i32
    %scan3A_49 = arith.constant 1 : i32
    %scan3A_50 = scf.for %scan3A_150 = %scan3A_46 to %scan3A_48 step %scan3A_49 iter_args(%scan3A_151 = %broadcast_in_dim3A_45) -> (vector<8x128xi32>)  : i32 {
      %mul3A_152 = arith.constant 8192 : i32
      %mul3A_153 = arith.muli %scan3A_150, %mul3A_152 : i32
      %lt3A_154 = vector.broadcast %mul3A_153 : i32 to vector<2048x128xi32>
      %lt3A_155 = arith.cmpi slt, %scan3A_37#0, %lt3A_154 : vector<2048x128xi32>
      %convert_element_type3A_156 = arith.extui %lt3A_155 : vector<2048x128xi1> to vector<2048x128xi32>
      %reduce_sum3A = vector.shape_cast %convert_element_type3A_156 : vector<2048x128xi32> to vector<1x2048x128xi32>
      %reduce_sum3A_157 = arith.constant dense<0> : vector<1xi32>
      %reduce_sum3A_158 = vector.multi_reduction <add>, %reduce_sum3A, %reduce_sum3A_157 [1, 2] : vector<1x2048x128xi32> to vector<1xi32>
      %reduce_sum3A_159 = vector.shape_cast %reduce_sum3A_158 : vector<1xi32> to vector<1x1x1xi32>
      %reduce_sum3A_160 = vector.extract %reduce_sum3A_159[0, 0, 0] : i32 from vector<1x1x1xi32>
      %eq3A = vector.broadcast %scan3A_150 : i32 to vector<8x128xi32>
      %eq3A_161 = arith.cmpi eq, %add3A_44, %eq3A : vector<8x128xi32>
      %jit3A_162 = arith.constant 0 : i32
      %broadcast_in_dim3A_163 = vector.broadcast %reduce_sum3A_160 : i32 to vector<8x128xi32>
      %broadcast_in_dim3A_164 = vector.broadcast %jit3A_162 : i32 to vector<8x128xi32>
      %select_n3A_165 = arith.select %eq3A_161, %broadcast_in_dim3A_163, %broadcast_in_dim3A_164 : vector<8x128xi1>, vector<8x128xi32>
      %add3A_166 = arith.addi %scan3A_151, %select_n3A_165 : vector<8x128xi32>
      scf.yield %add3A_166 : vector<8x128xi32>
    }
    %scan3A_51 = arith.constant 33 : i32
    %swap3A = arith.constant 0 : index
    %swap3A_52 = arith.constant 0 : index
    %swap3A_53 = vector.load %arg12[%swap3A, %swap3A_52] : memref<8x128xi32, #tpu.memory_space<vmem>>, vector<8x128xi32>
    tpu.vector_store %arg12[%swap3A, %swap3A_52], %scan3A_50 {strides = array<i32>} : memref<8x128xi32, #tpu.memory_space<vmem>>, vector<8x128xi32>,
    %ge3A = arith.constant 1 : i32
    %ge3A_54 = vector.broadcast %ge3A : i32 to vector<2048x128xi32>
    %ge3A_55 = arith.cmpi sge, %iota3A_0, %ge3A_54 : vector<2048x128xi32>
    %roll3A = arith.constant 1 : i32
    %roll3A_56 = tpu.dynamic_rotate %scan3A_37#0 by %roll3A dim 1 : vector<2048x128xi32>, i32 -> vector<2048x128xi32>
    %roll3A_57 = arith.constant 1 : i32
    %roll3A_58 = tpu.dynamic_rotate %scan3A_37#0 by %roll3A_57 dim 1 : vector<2048x128xi32>, i32 -> vector<2048x128xi32>
    %roll3A_59 = arith.constant 1 : i32
    %roll3A_60 = tpu.dynamic_rotate %roll3A_58 by %roll3A_59 dim 0 : vector<2048x128xi32>, i32 -> vector<2048x128xi32>
    %select_n3A = arith.select %ge3A_55, %roll3A_56, %roll3A_60 : vector<2048x128xi1>, vector<2048x128xi32>
    %ge3A_61 = arith.constant 1 : i32
    %ge3A_62 = vector.broadcast %ge3A_61 : i32 to vector<2048x128xi32>
    %ge3A_63 = arith.cmpi sge, %add3A, %ge3A_62 : vector<2048x128xi32>
    %jit3A = arith.constant -1 : i32
    %broadcast_in_dim3A_64 = vector.broadcast %jit3A : i32 to vector<2048x128xi32>
    %select_n3A_65 = arith.select %ge3A_63, %select_n3A, %broadcast_in_dim3A_64 : vector<2048x128xi1>, vector<2048x128xi32>
    %ne3A = arith.cmpi ne, %scan3A_37#0, %select_n3A_65 : vector<2048x128xi32>
    %convert_element_type3A = arith.extui %ne3A : vector<2048x128xi1> to vector<2048x128xi32>
    %lt3A = arith.constant 127 : i32
    %lt3A_66 = vector.broadcast %lt3A : i32 to vector<2048x128xi32>
    %lt3A_67 = arith.cmpi slt, %iota3A_0, %lt3A_66 : vector<2048x128xi32>
    %roll3A_68 = arith.constant 127 : i32
    %roll3A_69 = tpu.dynamic_rotate %scan3A_37#0 by %roll3A_68 dim 1 : vector<2048x128xi32>, i32 -> vector<2048x128xi32>
    %roll3A_70 = arith.constant 127 : i32
    %roll3A_71 = tpu.dynamic_rotate %scan3A_37#0 by %roll3A_70 dim 1 : vector<2048x128xi32>, i32 -> vector<2048x128xi32>
    %roll3A_72 = arith.constant 2047 : i32
    %roll3A_73 = tpu.dynamic_rotate %roll3A_71 by %roll3A_72 dim 0 : vector<2048x128xi32>, i32 -> vector<2048x128xi32>
    %select_n3A_74 = arith.select %lt3A_67, %roll3A_69, %roll3A_73 : vector<2048x128xi1>, vector<2048x128xi32>
    %lt3A_75 = arith.constant 262143 : i32
    %lt3A_76 = vector.broadcast %lt3A_75 : i32 to vector<2048x128xi32>
    %lt3A_77 = arith.cmpi slt, %add3A, %lt3A_76 : vector<2048x128xi32>
    %jit3A_78 = arith.constant -2 : i32
    %broadcast_in_dim3A_79 = vector.broadcast %jit3A_78 : i32 to vector<2048x128xi32>
    %select_n3A_80 = arith.select %lt3A_77, %select_n3A_74, %broadcast_in_dim3A_79 : vector<2048x128xi1>, vector<2048x128xi32>
    %ne3A_81 = arith.cmpi ne, %scan3A_37#0, %select_n3A_80 : vector<2048x128xi32>
    %neg3A = arith.constant 0.000000e+00 : f32
    %neg3A_82 = vector.broadcast %neg3A : f32 to vector<2048x128xf32>
    %neg3A_83 = arith.subf %neg3A_82, %scan3A_37#3 : vector<2048x128xf32>
    %log1p3A = math.log1p %neg3A_83 : vector<2048x128xf32>
    %scan3A_84 = arith.constant 0 : i32
    %scan3A_85 = arith.constant 18 : i32
    %scan3A_86 = arith.addi %scan3A_84, %scan3A_85 : i32
    %scan3A_87 = arith.constant 1 : i32
    %scan3A_88:2 = scf.for %scan3A_150 = %scan3A_84 to %scan3A_86 step %scan3A_87 iter_args(%scan3A_151 = %log1p3A, %scan3A_152 = %convert_element_type3A) -> (vector<2048x128xf32>, vector<2048x128xi32>)  : i32 {
      %shift_left3A = arith.constant 1 : i32
      %shift_left3A_153 = arith.shli %shift_left3A, %scan3A_150 : i32
      %lt3A_154 = arith.constant 128 : i32
      %lt3A_155 = arith.cmpi slt, %shift_left3A_153, %lt3A_154 : i32
      %convert_element_type3A_156 = arith.extui %lt3A_155 : i1 to i32
      %cond3A = arith.constant 0 : i32
      %cond3A_157 = arith.cmpi ne, %convert_element_type3A_156, %cond3A : i32
      %cond3A_158 = scf.if %cond3A_157 -> (vector<2048x128xf32>) {
        %roll3A_180 = tpu.dynamic_rotate %scan3A_151 by %shift_left3A_153 dim 1 : vector<2048x128xf32>, i32 -> vector<2048x128xf32>
        %ge3A_181 = vector.broadcast %shift_left3A_153 : i32 to vector<2048x128xi32>
        %ge3A_182 = arith.cmpi sge, %iota3A_0, %ge3A_181 : vector<2048x128xi32>
        %roll3A_183 = arith.constant 1 : i32
        %roll3A_184 = tpu.dynamic_rotate %roll3A_180 by %roll3A_183 dim 0 : vector<2048x128xf32>, i32 -> vector<2048x128xf32>
        %select_n3A_185 = arith.select %ge3A_182, %roll3A_180, %roll3A_184 : vector<2048x128xi1>, vector<2048x128xf32>
        scf.yield %select_n3A_185 : vector<2048x128xf32>
      } else {
        %shift_right_arithmetic3A = arith.constant 7 : i32
        %shift_right_arithmetic3A_180 = arith.shrsi %shift_left3A_153, %shift_right_arithmetic3A : i32
        %roll3A_181 = tpu.dynamic_rotate %scan3A_151 by %shift_right_arithmetic3A_180 dim 0 : vector<2048x128xf32>, i32 -> vector<2048x128xf32>
        scf.yield %roll3A_181 : vector<2048x128xf32>
      }
      %ge3A_159 = vector.broadcast %shift_left3A_153 : i32 to vector<2048x128xi32>
      %ge3A_160 = arith.cmpi sge, %add3A, %ge3A_159 : vector<2048x128xi32>
      %jit3A_161 = arith.constant 0.000000e+00 : f32
      %broadcast_in_dim3A_162 = vector.broadcast %jit3A_161 : f32 to vector<2048x128xf32>
      %select_n3A_163 = arith.select %ge3A_160, %cond3A_158, %broadcast_in_dim3A_162 : vector<2048x128xi1>, vector<2048x128xf32>
      %lt3A_164 = arith.constant 128 : i32
      %lt3A_165 = arith.cmpi slt, %shift_left3A_153, %lt3A_164 : i32
      %convert_element_type3A_166 = arith.extui %lt3A_165 : i1 to i32
      %cond3A_167 = arith.constant 0 : i32
      %cond3A_168 = arith.cmpi ne, %convert_element_type3A_166, %cond3A_167 : i32
      %cond3A_169 = scf.if %cond3A_168 -> (vector<2048x128xi32>) {
        %roll3A_180 = tpu.dynamic_rotate %scan3A_152 by %shift_left3A_153 dim 1 : vector<2048x128xi32>, i32 -> vector<2048x128xi32>
        %ge3A_181 = vector.broadcast %shift_left3A_153 : i32 to vector<2048x128xi32>
        %ge3A_182 = arith.cmpi sge, %iota3A_0, %ge3A_181 : vector<2048x128xi32>
        %roll3A_183 = arith.constant 1 : i32
        %roll3A_184 = tpu.dynamic_rotate %roll3A_180 by %roll3A_183 dim 0 : vector<2048x128xi32>, i32 -> vector<2048x128xi32>
        %select_n3A_185 = arith.select %ge3A_182, %roll3A_180, %roll3A_184 : vector<2048x128xi1>, vector<2048x128xi32>
        scf.yield %select_n3A_185 : vector<2048x128xi32>
      } else {
        %shift_right_arithmetic3A = arith.constant 7 : i32
        %shift_right_arithmetic3A_180 = arith.shrsi %shift_left3A_153, %shift_right_arithmetic3A : i32
        %roll3A_181 = tpu.dynamic_rotate %scan3A_152 by %shift_right_arithmetic3A_180 dim 0 : vector<2048x128xi32>, i32 -> vector<2048x128xi32>
        scf.yield %roll3A_181 : vector<2048x128xi32>
      }
      %ge3A_170 = vector.broadcast %shift_left3A_153 : i32 to vector<2048x128xi32>
      %ge3A_171 = arith.cmpi sge, %add3A, %ge3A_170 : vector<2048x128xi32>
      %jit3A_172 = arith.constant 1 : i32
      %broadcast_in_dim3A_173 = vector.broadcast %jit3A_172 : i32 to vector<2048x128xi32>
      %select_n3A_174 = arith.select %ge3A_171, %cond3A_169, %broadcast_in_dim3A_173 : vector<2048x128xi1>, vector<2048x128xi32>
      %gt3A_175 = arith.constant 0 : i32
      %gt3A_176 = vector.broadcast %gt3A_175 : i32 to vector<2048x128xi32>
      %gt3A_177 = arith.cmpi sgt, %scan3A_152, %gt3A_176 : vector<2048x128xi32>
      %add3A_178 = arith.addf %scan3A_151, %select_n3A_163 : vector<2048x128xf32>
      %select_n3A_179 = arith.select %gt3A_177, %scan3A_151, %add3A_178 : vector<2048x128xi1>, vector<2048x128xf32>
      %or3A = arith.ori %scan3A_152, %select_n3A_174 : vector<2048x128xi32>
      scf.yield %select_n3A_179, %or3A : vector<2048x128xf32>, vector<2048x128xi32>
    }
    %scan3A_89 = arith.constant 18 : i32
    %sub3A = arith.subf %scan3A_88#0, %log1p3A : vector<2048x128xf32>
    %gt3A = arith.constant -4.60517025 : f32
    %gt3A_90 = vector.broadcast %gt3A : f32 to vector<2048x128xf32>
    %gt3A_91 = arith.cmpf ogt, %sub3A, %gt3A_90 : vector<2048x128xf32>
    %neg3A_92 = arith.constant 0.000000e+00 : f32
    %neg3A_93 = vector.broadcast %neg3A_92 : f32 to vector<2048x128xf32>
    %neg3A_94 = arith.subf %neg3A_93, %scan3A_88#0 : vector<2048x128xf32>
    %exp3A = math.exp %neg3A_94 : vector<2048x128xf32>
    %mul3A_95 = arith.mulf %scan3A_37#3, %exp3A : vector<2048x128xf32>
    %jit3A_96 = arith.constant 0.000000e+00 : f32
    %broadcast_in_dim3A_97 = vector.broadcast %jit3A_96 : f32 to vector<2048x128xf32>
    %select_n3A_98 = arith.select %gt3A_91, %mul3A_95, %broadcast_in_dim3A_97 : vector<2048x128xi1>, vector<2048x128xf32>
    %mul3A_99 = arith.mulf %scan3A_37#4, %select_n3A_98 : vector<2048x128xf32>
    %mul3A_100 = arith.mulf %scan3A_37#5, %select_n3A_98 : vector<2048x128xf32>
    %mul3A_101 = arith.mulf %scan3A_37#6, %select_n3A_98 : vector<2048x128xf32>
    %jit3A_102 = arith.constant 1.000000e+30 : f32
    %broadcast_in_dim3A_103 = vector.broadcast %jit3A_102 : f32 to vector<2048x128xf32>
    %select_n3A_104 = arith.select %gt3A_91, %scan3A_88#0, %broadcast_in_dim3A_103 : vector<2048x128xi1>, vector<2048x128xf32>
    %scan3A_105 = arith.constant 0 : i32
    %scan3A_106 = arith.constant 18 : i32
    %scan3A_107 = arith.addi %scan3A_105, %scan3A_106 : i32
    %scan3A_108 = arith.constant 1 : i32
    %scan3A_109:5 = scf.for %scan3A_150 = %scan3A_105 to %scan3A_107 step %scan3A_108 iter_args(%scan3A_151 = %select_n3A_104, %scan3A_152 = %mul3A_99, %scan3A_153 = %mul3A_100, %scan3A_154 = %mul3A_101, %scan3A_155 = %convert_element_type3A) -> (vector<2048x128xf32>, vector<2048x128xf32>, vector<2048x128xf32>, vector<2048x128xf32>, vector<2048x128xi32>)  : i32 {
      %shift_left3A = arith.constant 1 : i32
      %shift_left3A_156 = arith.shli %shift_left3A, %scan3A_150 : i32
      %lt3A_157 = arith.constant 128 : i32
      %lt3A_158 = arith.cmpi slt, %shift_left3A_156, %lt3A_157 : i32
      %convert_element_type3A_159 = arith.extui %lt3A_158 : i1 to i32
      %cond3A = arith.constant 0 : i32
      %cond3A_160 = arith.cmpi ne, %convert_element_type3A_159, %cond3A : i32
      %cond3A_161 = scf.if %cond3A_160 -> (vector<2048x128xf32>) {
        %roll3A_222 = tpu.dynamic_rotate %scan3A_151 by %shift_left3A_156 dim 1 : vector<2048x128xf32>, i32 -> vector<2048x128xf32>
        %ge3A_223 = vector.broadcast %shift_left3A_156 : i32 to vector<2048x128xi32>
        %ge3A_224 = arith.cmpi sge, %iota3A_0, %ge3A_223 : vector<2048x128xi32>
        %roll3A_225 = arith.constant 1 : i32
        %roll3A_226 = tpu.dynamic_rotate %roll3A_222 by %roll3A_225 dim 0 : vector<2048x128xf32>, i32 -> vector<2048x128xf32>
        %select_n3A_227 = arith.select %ge3A_224, %roll3A_222, %roll3A_226 : vector<2048x128xi1>, vector<2048x128xf32>
        scf.yield %select_n3A_227 : vector<2048x128xf32>
      } else {
        %shift_right_arithmetic3A = arith.constant 7 : i32
        %shift_right_arithmetic3A_222 = arith.shrsi %shift_left3A_156, %shift_right_arithmetic3A : i32
        %roll3A_223 = tpu.dynamic_rotate %scan3A_151 by %shift_right_arithmetic3A_222 dim 0 : vector<2048x128xf32>, i32 -> vector<2048x128xf32>
        scf.yield %roll3A_223 : vector<2048x128xf32>
      }
      %ge3A_162 = vector.broadcast %shift_left3A_156 : i32 to vector<2048x128xi32>
      %ge3A_163 = arith.cmpi sge, %add3A, %ge3A_162 : vector<2048x128xi32>
      %jit3A_164 = arith.constant 1.000000e+30 : f32
      %broadcast_in_dim3A_165 = vector.broadcast %jit3A_164 : f32 to vector<2048x128xf32>
      %select_n3A_166 = arith.select %ge3A_163, %cond3A_161, %broadcast_in_dim3A_165 : vector<2048x128xi1>, vector<2048x128xf32>
      %lt3A_167 = arith.constant 128 : i32
      %lt3A_168 = arith.cmpi slt, %shift_left3A_156, %lt3A_167 : i32
      %convert_element_type3A_169 = arith.extui %lt3A_168 : i1 to i32
      %cond3A_170 = arith.constant 0 : i32
      %cond3A_171 = arith.cmpi ne, %convert_element_type3A_169, %cond3A_170 : i32
      %cond3A_172 = scf.if %cond3A_171 -> (vector<2048x128xf32>) {
        %roll3A_222 = tpu.dynamic_rotate %scan3A_152 by %shift_left3A_156 dim 1 : vector<2048x128xf32>, i32 -> vector<2048x128xf32>
        %ge3A_223 = vector.broadcast %shift_left3A_156 : i32 to vector<2048x128xi32>
        %ge3A_224 = arith.cmpi sge, %iota3A_0, %ge3A_223 : vector<2048x128xi32>
        %roll3A_225 = arith.constant 1 : i32
        %roll3A_226 = tpu.dynamic_rotate %roll3A_222 by %roll3A_225 dim 0 : vector<2048x128xf32>, i32 -> vector<2048x128xf32>
        %select_n3A_227 = arith.select %ge3A_224, %roll3A_222, %roll3A_226 : vector<2048x128xi1>, vector<2048x128xf32>
        scf.yield %select_n3A_227 : vector<2048x128xf32>
      } else {
        %shift_right_arithmetic3A = arith.constant 7 : i32
        %shift_right_arithmetic3A_222 = arith.shrsi %shift_left3A_156, %shift_right_arithmetic3A : i32
        %roll3A_223 = tpu.dynamic_rotate %scan3A_152 by %shift_right_arithmetic3A_222 dim 0 : vector<2048x128xf32>, i32 -> vector<2048x128xf32>
        scf.yield %roll3A_223 : vector<2048x128xf32>
      }
      %ge3A_173 = vector.broadcast %shift_left3A_156 : i32 to vector<2048x128xi32>
      %ge3A_174 = arith.cmpi sge, %add3A, %ge3A_173 : vector<2048x128xi32>
      %jit3A_175 = arith.constant 0.000000e+00 : f32
      %broadcast_in_dim3A_176 = vector.broadcast %jit3A_175 : f32 to vector<2048x128xf32>
      %select_n3A_177 = arith.select %ge3A_174, %cond3A_172, %broadcast_in_dim3A_176 : vector<2048x128xi1>, vector<2048x128xf32>
      %lt3A_178 = arith.constant 128 : i32
      %lt3A_179 = arith.cmpi slt, %shift_left3A_156, %lt3A_178 : i32
      %convert_element_type3A_180 = arith.extui %lt3A_179 : i1 to i32
      %cond3A_181 = arith.constant 0 : i32
      %cond3A_182 = arith.cmpi ne, %convert_element_type3A_180, %cond3A_181 : i32
      %cond3A_183 = scf.if %cond3A_182 -> (vector<2048x128xf32>) {
        %roll3A_222 = tpu.dynamic_rotate %scan3A_153 by %shift_left3A_156 dim 1 : vector<2048x128xf32>, i32 -> vector<2048x128xf32>
        %ge3A_223 = vector.broadcast %shift_left3A_156 : i32 to vector<2048x128xi32>
        %ge3A_224 = arith.cmpi sge, %iota3A_0, %ge3A_223 : vector<2048x128xi32>
        %roll3A_225 = arith.constant 1 : i32
        %roll3A_226 = tpu.dynamic_rotate %roll3A_222 by %roll3A_225 dim 0 : vector<2048x128xf32>, i32 -> vector<2048x128xf32>
        %select_n3A_227 = arith.select %ge3A_224, %roll3A_222, %roll3A_226 : vector<2048x128xi1>, vector<2048x128xf32>
        scf.yield %select_n3A_227 : vector<2048x128xf32>
      } else {
        %shift_right_arithmetic3A = arith.constant 7 : i32
        %shift_right_arithmetic3A_222 = arith.shrsi %shift_left3A_156, %shift_right_arithmetic3A : i32
        %roll3A_223 = tpu.dynamic_rotate %scan3A_153 by %shift_right_arithmetic3A_222 dim 0 : vector<2048x128xf32>, i32 -> vector<2048x128xf32>
        scf.yield %roll3A_223 : vector<2048x128xf32>
      }
      %ge3A_184 = vector.broadcast %shift_left3A_156 : i32 to vector<2048x128xi32>
      %ge3A_185 = arith.cmpi sge, %add3A, %ge3A_184 : vector<2048x128xi32>
      %jit3A_186 = arith.constant 0.000000e+00 : f32
      %broadcast_in_dim3A_187 = vector.broadcast %jit3A_186 : f32 to vector<2048x128xf32>
      %select_n3A_188 = arith.select %ge3A_185, %cond3A_183, %broadcast_in_dim3A_187 : vector<2048x128xi1>, vector<2048x128xf32>
      %lt3A_189 = arith.constant 128 : i32
      %lt3A_190 = arith.cmpi slt, %shift_left3A_156, %lt3A_189 : i32
      %convert_element_type3A_191 = arith.extui %lt3A_190 : i1 to i32
      %cond3A_192 = arith.constant 0 : i32
      %cond3A_193 = arith.cmpi ne, %convert_element_type3A_191, %cond3A_192 : i32
      %cond3A_194 = scf.if %cond3A_193 -> (vector<2048x128xf32>) {
        %roll3A_222 = tpu.dynamic_rotate %scan3A_154 by %shift_left3A_156 dim 1 : vector<2048x128xf32>, i32 -> vector<2048x128xf32>
        %ge3A_223 = vector.broadcast %shift_left3A_156 : i32 to vector<2048x128xi32>
        %ge3A_224 = arith.cmpi sge, %iota3A_0, %ge3A_223 : vector<2048x128xi32>
        %roll3A_225 = arith.constant 1 : i32
        %roll3A_226 = tpu.dynamic_rotate %roll3A_222 by %roll3A_225 dim 0 : vector<2048x128xf32>, i32 -> vector<2048x128xf32>
        %select_n3A_227 = arith.select %ge3A_224, %roll3A_222, %roll3A_226 : vector<2048x128xi1>, vector<2048x128xf32>
        scf.yield %select_n3A_227 : vector<2048x128xf32>
      } else {
        %shift_right_arithmetic3A = arith.constant 7 : i32
        %shift_right_arithmetic3A_222 = arith.shrsi %shift_left3A_156, %shift_right_arithmetic3A : i32
        %roll3A_223 = tpu.dynamic_rotate %scan3A_154 by %shift_right_arithmetic3A_222 dim 0 : vector<2048x128xf32>, i32 -> vector<2048x128xf32>
        scf.yield %roll3A_223 : vector<2048x128xf32>
      }
      %ge3A_195 = vector.broadcast %shift_left3A_156 : i32 to vector<2048x128xi32>
      %ge3A_196 = arith.cmpi sge, %add3A, %ge3A_195 : vector<2048x128xi32>
      %jit3A_197 = arith.constant 0.000000e+00 : f32
      %broadcast_in_dim3A_198 = vector.broadcast %jit3A_197 : f32 to vector<2048x128xf32>
      %select_n3A_199 = arith.select %ge3A_196, %cond3A_194, %broadcast_in_dim3A_198 : vector<2048x128xi1>, vector<2048x128xf32>
      %lt3A_200 = arith.constant 128 : i32
      %lt3A_201 = arith.cmpi slt, %shift_left3A_156, %lt3A_200 : i32
      %convert_element_type3A_202 = arith.extui %lt3A_201 : i1 to i32
      %cond3A_203 = arith.constant 0 : i32
      %cond3A_204 = arith.cmpi ne, %convert_element_type3A_202, %cond3A_203 : i32
      %cond3A_205 = scf.if %cond3A_204 -> (vector<2048x128xi32>) {
        %roll3A_222 = tpu.dynamic_rotate %scan3A_155 by %shift_left3A_156 dim 1 : vector<2048x128xi32>, i32 -> vector<2048x128xi32>
        %ge3A_223 = vector.broadcast %shift_left3A_156 : i32 to vector<2048x128xi32>
        %ge3A_224 = arith.cmpi sge, %iota3A_0, %ge3A_223 : vector<2048x128xi32>
        %roll3A_225 = arith.constant 1 : i32
        %roll3A_226 = tpu.dynamic_rotate %roll3A_222 by %roll3A_225 dim 0 : vector<2048x128xi32>, i32 -> vector<2048x128xi32>
        %select_n3A_227 = arith.select %ge3A_224, %roll3A_222, %roll3A_226 : vector<2048x128xi1>, vector<2048x128xi32>
        scf.yield %select_n3A_227 : vector<2048x128xi32>
      } else {
        %shift_right_arithmetic3A = arith.constant 7 : i32
        %shift_right_arithmetic3A_222 = arith.shrsi %shift_left3A_156, %shift_right_arithmetic3A : i32
        %roll3A_223 = tpu.dynamic_rotate %scan3A_155 by %shift_right_arithmetic3A_222 dim 0 : vector<2048x128xi32>, i32 -> vector<2048x128xi32>
        scf.yield %roll3A_223 : vector<2048x128xi32>
      }
      %ge3A_206 = vector.broadcast %shift_left3A_156 : i32 to vector<2048x128xi32>
      %ge3A_207 = arith.cmpi sge, %add3A, %ge3A_206 : vector<2048x128xi32>
      %jit3A_208 = arith.constant 1 : i32
      %broadcast_in_dim3A_209 = vector.broadcast %jit3A_208 : i32 to vector<2048x128xi32>
      %select_n3A_210 = arith.select %ge3A_207, %cond3A_205, %broadcast_in_dim3A_209 : vector<2048x128xi1>, vector<2048x128xi32>
      %gt3A_211 = arith.constant 0 : i32
      %gt3A_212 = vector.broadcast %gt3A_211 : i32 to vector<2048x128xi32>
      %gt3A_213 = arith.cmpi sgt, %scan3A_155, %gt3A_212 : vector<2048x128xi32>
      %min3A_214 = arith.minimumf %scan3A_151, %select_n3A_166 : vector<2048x128xf32>
      %select_n3A_215 = arith.select %gt3A_213, %scan3A_151, %min3A_214 : vector<2048x128xi1>, vector<2048x128xf32>
      %add3A_216 = arith.addf %scan3A_152, %select_n3A_177 : vector<2048x128xf32>
      %select_n3A_217 = arith.select %gt3A_213, %scan3A_152, %add3A_216 : vector<2048x128xi1>, vector<2048x128xf32>
      %add3A_218 = arith.addf %scan3A_153, %select_n3A_188 : vector<2048x128xf32>
      %select_n3A_219 = arith.select %gt3A_213, %scan3A_153, %add3A_218 : vector<2048x128xi1>, vector<2048x128xf32>
      %add3A_220 = arith.addf %scan3A_154, %select_n3A_199 : vector<2048x128xf32>
      %select_n3A_221 = arith.select %gt3A_213, %scan3A_154, %add3A_220 : vector<2048x128xi1>, vector<2048x128xf32>
      %or3A = arith.ori %scan3A_155, %select_n3A_210 : vector<2048x128xi32>
      scf.yield %select_n3A_215, %select_n3A_217, %select_n3A_219, %select_n3A_221, %or3A : vector<2048x128xf32>, vector<2048x128xf32>, vector<2048x128xf32>, vector<2048x128xf32>, vector<2048x128xi32>
    }
    %scan3A_110 = arith.constant 18 : i32
    %exp3A_111 = math.exp %scan3A_109#0 : vector<2048x128xf32>
    %sub3A_112 = arith.constant 1.000000e+00 : f32
    %sub3A_113 = vector.broadcast %sub3A_112 : f32 to vector<2048x128xf32>
    %sub3A_114 = arith.subf %sub3A_113, %exp3A_111 : vector<2048x128xf32>
    %gt3A_115 = arith.constant 0.000000e+00 : f32
    %gt3A_116 = vector.broadcast %gt3A_115 : f32 to vector<2048x128xf32>
    %gt3A_117 = arith.cmpf ogt, %sub3A_114, %gt3A_116 : vector<2048x128xf32>
    %jit3A_118 = arith.constant 1.000000e+00 : f32
    %broadcast_in_dim3A_119 = vector.broadcast %jit3A_118 : f32 to vector<2048x128xf32>
    %select_n3A_120 = arith.select %gt3A_117, %sub3A_114, %broadcast_in_dim3A_119 : vector<2048x128xi1>, vector<2048x128xf32>
    %mul3A_121 = arith.mulf %exp3A_111, %scan3A_109#1 : vector<2048x128xf32>
    %div3A = arith.divf %mul3A_121, %select_n3A_120 : vector<2048x128xf32>
    %jit3A_122 = arith.constant 0.000000e+00 : f32
    %broadcast_in_dim3A_123 = vector.broadcast %jit3A_122 : f32 to vector<2048x128xf32>
    %select_n3A_124 = arith.select %gt3A_117, %div3A, %broadcast_in_dim3A_123 : vector<2048x128xi1>, vector<2048x128xf32>
    %swap3A_125 = arith.constant 0 : index
    %swap3A_126 = arith.constant 0 : index
    %swap3A_127 = vector.load %arg9[%swap3A_125, %swap3A_126] : memref<2048x128xf32, #tpu.memory_space<vmem>>, vector<2048x128xf32>
    tpu.vector_store %arg9[%swap3A_125, %swap3A_126], %select_n3A_124 {strides = array<i32>} : memref<2048x128xf32, #tpu.memory_space<vmem>>, vector<2048x128xf32>,
    %mul3A_128 = arith.mulf %exp3A_111, %scan3A_109#2 : vector<2048x128xf32>
    %div3A_129 = arith.divf %mul3A_128, %select_n3A_120 : vector<2048x128xf32>
    %jit3A_130 = arith.constant 0.000000e+00 : f32
    %broadcast_in_dim3A_131 = vector.broadcast %jit3A_130 : f32 to vector<2048x128xf32>
    %select_n3A_132 = arith.select %gt3A_117, %div3A_129, %broadcast_in_dim3A_131 : vector<2048x128xi1>, vector<2048x128xf32>
    %swap3A_133 = arith.constant 0 : index
    %swap3A_134 = arith.constant 0 : index
    %swap3A_135 = vector.load %arg10[%swap3A_133, %swap3A_134] : memref<2048x128xf32, #tpu.memory_space<vmem>>, vector<2048x128xf32>
    tpu.vector_store %arg10[%swap3A_133, %swap3A_134], %select_n3A_132 {strides = array<i32>} : memref<2048x128xf32, #tpu.memory_space<vmem>>, vector<2048x128xf32>,
    %mul3A_136 = arith.mulf %exp3A_111, %scan3A_109#3 : vector<2048x128xf32>
    %div3A_137 = arith.divf %mul3A_136, %select_n3A_120 : vector<2048x128xf32>
    %jit3A_138 = arith.constant 0.000000e+00 : f32
    %broadcast_in_dim3A_139 = vector.broadcast %jit3A_138 : f32 to vector<2048x128xf32>
    %select_n3A_140 = arith.select %gt3A_117, %div3A_137, %broadcast_in_dim3A_139 : vector<2048x128xi1>, vector<2048x128xf32>
    %swap3A_141 = arith.constant 0 : index
    %swap3A_142 = arith.constant 0 : index
    %swap3A_143 = vector.load %arg11[%swap3A_141, %swap3A_142] : memref<2048x128xf32, #tpu.memory_space<vmem>>, vector<2048x128xf32>
    tpu.vector_store %arg11[%swap3A_141, %swap3A_142], %select_n3A_140 {strides = array<i32>} : memref<2048x128xf32, #tpu.memory_space<vmem>>, vector<2048x128xf32>,
    %jit3A_144 = arith.constant 262144 : i32
    %broadcast_in_dim3A_145 = vector.broadcast %jit3A_144 : i32 to vector<2048x128xi32>
    %select_n3A_146 = arith.select %ne3A_81, %scan3A_37#0, %broadcast_in_dim3A_145 : vector<2048x128xi1>, vector<2048x128xi32>
    %swap3A_147 = arith.constant 0 : index
    %swap3A_148 = arith.constant 0 : index
    %swap3A_149 = vector.load %arg8[%swap3A_147, %swap3A_148] : memref<2048x128xi32, #tpu.memory_space<vmem>>, vector<2048x128xi32>
    tpu.vector_store %arg8[%swap3A_147, %swap3A_148], %select_n3A_146 {strides = array<i32>} : memref<2048x128xi32, #tpu.memory_space<vmem>>, vector<2048x128xi32>,
    return
  }
}

</mosaic_0001>

<sc_bundles>
// kernel: kernel.4.cloned.1.call-start
scs
__scs_entry_jumppad:
0x0: {  	(pc) =	sbr.rel $0x88, $3  }
0x1: {  	(tag) =	ssettag $0x0;
	lr =	simm.s32 $0x1  }
0x2: {  	[smem:$0x3F9C] =	sst lr;
	_ =	strace $0xD0000000  }
0x3: {  	_ = 	snop  }
0x4: {  	_ = 	snop  }
0x5: {  	_ = 	snop  }
0x6: {  	_ = 	snop  }
0x7: {  	_ = 	snop  }
__scs_overlays_trampoline_lowered:
0x8: {  	[smem:$0x3FAB] =	sst s0  }
0x9: {  	[smem:$0x3FAC] =	sst s1  }
0xa: {  	[smem:$0x3FAD] =	sst s2  }
0xb: {  	[smem:$0x3FAE] =	sst s3  }
0xc: {  	[smem:$0x3FAF] =	sst s4  }
0xd: {  	[smem:$0x3FB0] =	sst s5  }
0xe: {  	[smem:$0x3FB1] =	sst s6  }
0xf: {  	[smem:$0x3FB2] =	sst s7  }
0x10: {  	[smem:$0x3FB3] =	sst s8  }
0x11: {  	[smem:$0x3FB4] =	sst s9;
	s0 =	simm.s32 @!p0 $0x0  }
0x12: {  	s1 =	sld [smem:$0x3F9A];
	s0 =	simm.s32 @p0 $0x1  }
0x13: {  	[smem:$0x3FB5] =	sst s0;
	s0 =	simm.s32 @!p1 $0x0  }
0x14: {  	s2 =	sld [smem:$0x3F99];
	s0 =	simm.s32 @p1 $0x1  }
0x15: {  	[smem:$0x3FB6] =	sst s0;
	s0 =	simm.s32 @!p2 $0x0  }
0x16: {  	s3 =	sld [smem:$0x3FDB];
	s0 =	simm.s32 @p2 $0x1  }
0x17: {  	s4 =	simm.s32 $0x1BF5;
	[smem:$0x3FB8] =	sst s0  }
0x18: {  	s0 =	sld [smem:$0x3F9B];
	_ =	swait.ge [sflag:s4], $0x0  }
0x19: {  	s7 =	sld [smem:$0x3F9C]  }
0x1a: {  	s8 =	sadd.s32 $0xFFFFE003, lr  }
0x1b: {  	s9 =	sadd.s32 $0xFFFFFEF7, lr;
	s5 =	simm.s32 $0xFFFFFFFF;
	p2 =	slt.u32 s8, $0xFFFFF086  }
0x1c: {  	p1 =	slt.u32 s9, $0xF7A;
	s5 =	simm.s32 @!p2 $0x0  }
0x1d: {  	s5 =	simm.s32 @p1 $0x1;
	p0 =	seq.s32 s7, s2  }
0x1e: {  	s7 =	smul.u32 @!p0 $0xF7A, s2;
	p2 =	seq.s32 @!p0 s5, $0x0  }
0x1f: {  	s9 =	smul.u32 $0xF7A, s1;
	s8 =	simm.s32 @!p0 $0x1BF5;
	p2 =	por !p2, p0  }
0x20: {  	[sflag:s8] =	ssyncset.s32 @!p0 $0xFFFFF086;
	s6 =	sadd.s32 @!p0 s3, s7;
	s7 =	simm.s32 @!p0 $0x108  }
0x21: {  	s3 =	sadd.s32 s3, s9;
	s6 =	sadd.s32 @!p0 $0x88, s6;
	s7 =	simm.s32 @p2 $0x1082  }
0x22: {  	[simem:s7], [sflag:s8] =	dma.local @!p0 [hbm:s6], $0xF7A  }
0x23: {  	s9 =	sor.u32 $0xD0000000, s2;
	s6 =	simm.s32 $0x108;
	_ =	swait.ge @!p0 [sflag:s8], $0x0  }
0x24: {  	s3 =	sadd.s32 $0x88, s3;
	s6 =	simm.s32 @!p1 $0x1082;
	[sflag:s4] =	ssyncset.s32 $0xFFFFF086  }
0x25: {  	[simem:s6], [sflag:s4] =	dma.local [hbm:s3], $0xF7A  }
0x26: {  	[smem:$0x3F9C] =	sst s1;
	(tag) =	ssettag s2;
	_ =	strace s9  }
0x27: {  	s1 =	sld [smem:$0x3FAC]  }
0x28: {  	s2 =	sld [smem:$0x3FAD]  }
0x29: {  	s4 =	sld [smem:$0x3FAF]  }
0x2a: {  	p0 =	seq.s32 s5, $0x0;
	s5 =	sld [smem:$0x3FB0]  }
0x2b: {  	s6 =	sld [smem:$0x3FB1]  }
0x2c: {  	s7 =	sld [smem:$0x3FB2]  }
0x2d: {  	s3 =	simm.s32 $0x108;
	s8 =	sld [smem:$0x3FB3]  }
0x2e: {  	s3 =	simm.s32 @!p0 $0x1082;
	s9 =	sld [smem:$0x3FB4]  }
0x2f: {  	lr =	sadd.s32 s0, s3;
	s0 =	sld [smem:$0x3FAB]  }
0x30: {  	s3 =	sld [smem:$0x3FAE]  }
0x31: {  	[smem:$0x3FB7] =	sst s10  }
0x32: {  	s10 =	sld [smem:$0x3FB5];
	_ =	sdelay $0x3  }
0x33: {  	p0 =	seq.s32 s10, $0x1;
	s10 =	sld [smem:$0x3FB7];
	_ =	sdelay $0x3  }
0x34: {  	[smem:$0x3FB7] =	sst s10  }
0x35: {  	s10 =	sld [smem:$0x3FB6];
	_ =	sdelay $0x3  }
0x36: {  	p1 =	seq.s32 s10, $0x1;
	s10 =	sld [smem:$0x3FB7];
	_ =	sdelay $0x3  }
0x37: {  	[smem:$0x3FB7] =	sst s10  }
0x38: {  	s10 =	sld [smem:$0x3FB8]  }
0x39: {  	_ = 	snop;
	(pc) =	sbr.ind lr, $3  }
0x3a: {  	_ = 	snop  }
0x3b: {  	_ = 	snop  }
0x3c: {  	p2 =	seq.s32 s10, $0x1;
	s10 =	sld [smem:$0x3FB7]  }
0x3d: {  	_ =	shalt  }
0x3e: {  	_ =	shalt  }
0x3f: {  	_ =	shalt  }
0x40: {  	_ =	shalt  }
0x41: {  	_ =	shalt  }
0x42: {  	_ =	shalt  }
0x43: {  	_ =	shalt  }
0x44: {  	_ =	shalt  }
0x45: {  	_ =	shalt  }
0x46: {  	_ =	shalt  }
0x47: {  	_ =	shalt  }
0x48: {  	_ =	shalt  }
0x49: {  	_ =	shalt  }
0x4a: {  	_ =	shalt  }
0x4b: {  	_ =	shalt  }
0x4c: {  	_ =	shalt  }
0x4d: {  	_ =	shalt  }
0x4e: {  	_ =	shalt  }
0x4f: {  	_ =	shalt  }
0x50: {  	_ =	shalt  }
0x51: {  	_ =	shalt  }
0x52: {  	_ =	shalt  }
0x53: {  	_ =	shalt  }
0x54: {  	_ =	shalt  }
0x55: {  	_ =	shalt  }
0x56: {  	_ =	shalt  }
0x57: {  	_ =	shalt  }
0x58: {  	_ =	shalt  }
0x59: {  	_ =	shalt  }
0x5a: {  	_ =	shalt  }
0x5b: {  	_ =	shalt  }
0x5c: {  	_ =	shalt  }
0x5d: {  	_ =	shalt  }
0x5e: {  	_ =	shalt  }
0x5f: {  	_ =	shalt  }
0x60: {  	_ =	shalt  }
0x61: {  	_ =	shalt  }
0x62: {  	_ =	shalt  }
0x63: {  	_ =	shalt  }
0x64: {  	_ =	shalt  }
0x65: {  	_ =	shalt  }
0x66: {  	_ =	shalt  }
0x67: {  	_ =	shalt  }
0x68: {  	_ =	shalt  }
0x69: {  	_ =	shalt  }
0x6a: {  	_ =	shalt  }
0x6b: {  	_ =	shalt  }
0x6c: {  	_ =	shalt  }
0x6d: {  	_ =	shalt  }
0x6e: {  	_ =	shalt  }
0x6f: {  	_ =	shalt  }
0x70: {  	_ =	shalt  }
0x71: {  	_ =	shalt  }
0x72: {  	_ =	shalt  }
0x73: {  	_ =	shalt  }
0x74: {  	_ =	shalt  }
0x75: {  	_ =	shalt  }
0x76: {  	_ =	shalt  }
0x77: {  	_ =	shalt  }
0x78: {  	_ =	shalt  }
0x79: {  	_ =	shalt  }
0x7a: {  	_ =	shalt  }
0x7b: {  	_ =	shalt  }
0x7c: {  	_ =	shalt  }
0x7d: {  	_ =	shalt  }
0x7e: {  	_ =	shalt  }
0x7f: {  	_ =	shalt  }
0x80: {  	_ =	shalt  }
0x81: {  	_ =	shalt  }
0x82: {  	_ =	shalt  }
0x83: {  	_ =	shalt  }
0x84: {  	_ =	shalt  }
0x85: {  	_ =	shalt  }
0x86: {  	_ =	shalt  }
0x87: {  	_ =	shalt  }
.Lfunc_end0:
.L_simem_size_0:
called_computation_lowered:
.L_overlay_start_0:
0x88: {  	s2 =	sld [smem:$0x3FD9]  }
0x89: {  	s3 =	sld [smem:$0x3FFE];
	_ =	sdelay $0x1  }
0x8a: {  	s1 =	srdreg.scid  }
0x8b: {  	s0 =	sand.u32 $0x1, s1  }
0x8c: {  	s17 =	sshll.u32 s0, $0xA;
	s2 =	sadd.s32 s3, s2  }
0x8d: {  	s2 =	sadd.s32 s2, s17  }
0x8e: {  	[smem:$0x3FC3] =	sst s2  }
0x8f: {  	_ = 	snop  }
0x90: {  	s2 =	sld [smem:$0x3FD0];
	(tm) =	ssettm $0x1  }
0x91: {  	s18 =	sld [smem:$0x3FFB];
	_ =	sdelay $0x3  }
0x92: {  	_ =	strace s18  }
0x93: {  	s3 =	sld [smem:$0x3FFC];
	_ =	sdelay $0x3  }
0x94: {  	_ =	strace s3  }
0x95: {  	s3 =	sld [smem:$0x3FFD];
	_ =	sdelay $0x3  }
0x96: {  	_ =	strace s3  }
0x97: {  	_ =	strace $0x8FFFFFFF  }
0x98: {  	s19 =	sld [smem:$0x3FDB];
	_ =	sdelay $0x1  }
0x99: {  	s4 =	simm.s32 $_scs_section_size  }
0x9a: {  	s5 =	simm.s32 $_size__tile_overlayer_lowered;
	s6 =	simm.s32 $_tile_overlayer_lowered  }
0x9b: {  	s22 =	simm.s32 $0x1BFF;
	s21 =	sshll.u32 s6, $0x1;
	s3 =	sadd.s32 s4, s19  }
0x9c: {  	s7 =	simm.s32 $0x0;
	s20 =	sshll.u32 s5, $0x1;
	s5 =	sadd.s32 s21, s3  }
0x9d: {  	[timem:s7], [sflag:s22] =	dma.local [hbm:s5], s20  }
0x9e: {  	_ =	swait.ge [sflag:s22], s20  }
0x9f: {  	s4 =	ssub.s32 $0x0, s20;
	[sflag:s22] =	ssyncset.done $0x0  }
0xa0: {  	[sflag:s22] =	ssyncadd.s32 s4;
	_ =	sdelay $0x1  }
0xa1: {  	s23 =	simm.s32 $0x1B8B  }
0xa2: {  	_ =	swait.ge [sflag:s23], $0x1  }
0xa3: {  	[sflag:s23] =	ssyncset.done $0x0  }
0xa4: {  	s25 =	simm.s32 $0x1B8E;
	s24 =	sld [smem:$0x3FFE];
	[sflag:s23] =	ssyncadd.s32 $0xFFFFFFFF  }
0xa5: {  	s26 =	simm.s32 $execute0_lowered;
	[smem:$0x3FD2] =	sst s25  }
0xa6: {  	s5 =	sshll.u32 s26, $0x1;
	_ =	strace $0x80000046;
	[dreg:$0x1] =	wrdreg $0xFFFFFFFF  }
0xa7: {  	s28 =	simm.s32 $_size_execute0_lowered;
	s3 =	sadd.s32 s3, s5;
	[dreg:$0x0] =	wrdreg $0x0  }
0xa8: {  	s5 =	sshll.u32 s28, $0x1;
	[dreg:$0x2] =	wrdreg s3  }
0xa9: {  	[dreg:$0x3] =	wrdreg s5  }
0xaa: {  	[dreg:$0x4] =	wrdreg $0xC0  }
0xab: {  	_ =	task [dreg:s7], $0x5FFFF  }
0xac: {  	[dreg:$0x1] =	wrdreg $0xFFFFFFFF  }
0xad: {  	[dreg:$0x0] =	wrdreg $0x60  }
0xae: {  	[dreg:$0x2] =	wrdreg s2  }
0xaf: {  	[dreg:$0x3] =	wrdreg s24  }
0xb0: {  	[dreg:$0x4] =	wrdreg $0x9  }
0xb1: {  	_ =	task.clear_ibuf [dreg:s7], $0x5FFFF;
	_ =	strace $0x90000046  }
0xb2: {  	s29 =	simm.s32 $0x9;
	_ =	strace $0x80000048  }
0xb3: {  	_ =	swait.ge [sflag:s29], $0x1  }
0xb4: {  	[sflag:s29] =	ssyncadd.s32 $0xFFFFFFFF  }
0xb5: {  	_ =	strace $0x90000048  }
0xb6: {  	_ =	sfence  }
0xb7: {  	s30 =	sld [smem:$0x0];
	_ =	sdelay $0x2  }
0xb8: {  	s31 =	sshll.u32 s1, $0xD;
	s1 =	sshrl.u32 s1, $0x2  }
0xb9: {  	s3 =	sand.u32 $0x4000, s31;
	s1 =	sadd.s32 s1, s30  }
0xba: {  	s0 =	sor.u32 s3, s0;
	s1 =	sshll.u32 s1, $0x11  }
0xbb: {  	s0 =	sor.u32 s1, s0  }
0xbc: {  	s0 =	sadd.s32 $0x8F2B, s0  }
0xbd: {  	[sflag:s0] =	ssyncadd.remote.s32 $0x1  }
0xbe: {  	_ =	sfence.sel $0xFFFF  }
0xbf: {  	[dreg:$0x0] =	wrdreg $0xFFFFFFFF;
	(pc) =	sbr.abs _section_cstart, $3  }
0xc0: {  	[dreg:$0x1] =	wrdreg $0xFFFFFFFF  }
0xc1: {  	_ =	task.clear_ibuf [dreg:s7], $0x2FFFF;
	_ =	strace $0x9FFFFFFF  }
0xc2: {  	(tm) =	ssettm $0x7FFFFFFF  }
0xc3: {  	_ =	shalt  }
tec
execute0_lowered:
.L_overlay_start_1:
0x0: {  	(tag) =	ssettag $0x1  }
0x1: {  	s1 =	rddreg [dreg:$0x0]  }
0x2: {  	s2 =	rddreg [dreg:$0x1]  }
0x3: {  	s0 =	rddreg [dreg:$0x2];
	s4 =	simm.s32 $0x0;
	s5 =	srdreg.scid  }
0x4: {  	s3 =	stileid.u32;
	s13 =	simm.s32 $0x1;
	s14 =	simm.s32 $0x80  }
0x5: {  	s15 =	simm.s32 $0x880;
	s17 =	simm.s32 $0x1880;
	s18 =	simm.s32 $0x2080  }
0x6: {  	s20 =	simm.s32 $0x6180;
	s21 =	simm.s32 $0x0;
	[smem:$0x7FF] =	sst s4  }
0x7: {  	s9 =	sand.u32 $0x1, s5;
	s7 =	sshll.u32 s3, $0x1;
	s5 =	sadd.s32 $0x200, s2  }
0x8: {  	s6 =	sadd.s32 $0x8400, s2;
	s8 =	sadd.s32 $0x10600, s2;
	_ =	strace $0x80000047  }
.Ltmp0:
0x9: {  	s7 =	sor.u32 s9, s7;
	s9 =	ssub.s32 $0x2, s9;
	(pc) =	sbr.rel .LBB2_1-.Ltmp0, $4  }
0xa: {  	s10 =	sshll.u32 s7, $0xA;
	s31 =	sshrl.u32 s9, $0x1;
	s16 =	sshll.u32 s7, $0xD  }
0xb: {  	s11 =	sadd.s32 s10, s2;
	s12 =	ssub.s32 s9, s31;
	s19 =	sadd.s32 $0x2000, s16  }
0xc: {  	v3 =	vlaneseq.u32;
	v0 =	vmov s16;
	s16 =	simm.s32 $0x1080;
	s9 =	sadd.s32 $0x18800, s11;
	s10 =	sadd.s32 $0x20800, s11  }
0xd: {  	v2 =	vimm.f32 $0.0e+00;
	v3 =	vor.u32 $0x2000, v3;
	s11 =	sadd.s32 $0x28800, s11;
	s12 =	smax.u32 s12, $0x1;
	v1 =	vmov s19;
	s19 =	simm.s32 $0x4100  }
.LBB2_7:
0xe: {  	[hbm4b:s9+s4] =	stream.linear.scatter [tilespmem:s18], [sflag:$0x1], $0x2000, $0x38;
	[tilespmem:$0x8200] =	vst v63  }
0xf: {  	_ =	swait.ge [sflag:s13], $0x2000  }
0x10: {  	[sflag:s13] =	ssyncset.done $0x0  }
0x11: {  	[sflag:s13] =	ssyncadd.s32 $0xFFFFE000  }
0x12: {  	[hbm4b:s10+s4] =	stream.linear.scatter [tilespmem:s19], [sflag:$0x1], $0x2000, $0x38;
	[tilespmem:$0x8200] =	vst v63  }
0x13: {  	s21 =	sadd.s32 $0x1, s21;
	_ =	swait.ge [sflag:s13], $0x2000  }
0x14: {  	p0 =	sne.s32 s21, s12;
	[sflag:s13] =	ssyncset.done $0x0  }
.Ltmp1:
0x15: {  	[sflag:s13] =	ssyncadd.s32 $0xFFFFE000;
	(pc) =	sbr.rel @!p0 .LBB2_8-.Ltmp1, $4  }
0x16: {  	[hbm4b:s11+s4] =	stream.linear.scatter [tilespmem:s20], [sflag:$0x1], $0x2000, $0x38;
	[tilespmem:$0x8200] =	vst v63  }
0x17: {  	_ =	swait.ge [sflag:s13], $0x2000  }
0x18: {  	[sflag:s13] =	ssyncset.done $0x0  }
0x19: {  	[sflag:s13] =	ssyncadd.s32 $0xFFFFE000  }
.LBB2_1:
0x1a: {  	[tilespmem:s4], [sflag:$0x1] =	stream.linear.gather [hbm4b:s2+s4], $0x80, $0x38;
	[tilespmem:$0x8200] =	vst v63  }
0x1b: {  	_ =	swait.ge [sflag:s13], $0x80  }
0x1c: {  	[sflag:s13] =	ssyncset.done $0x0  }
0x1d: {  	[sflag:s13] =	ssyncadd.s32 $0xFFFFFF80  }
0x1e: {  	v4 =	vld [tilespmem:s7+$0x0]  }
0x1f: {  	s22 =	simm.s32 $0x40;
	s24 =	simm.s32 $0x0;
	v5 =	vld [tilespmem:s7+$0x1]  }
.LBB2_2:
0x20: {  	p0 =	sne.s32 s22, $0x8000;
	[tilespmem:s24+$0x6180] =	vst v2;
	s23 =	smov.u32 s22;
	s22 =	sadd.s32 $0x40, s22  }
.Ltmp2:
0x21: {  	[tilespmem:s24+$0x2080] =	vst v2;
	(pc) =	sbr.rel @p0 .LBB2_2-.Ltmp2, $2  }
0x22: {  	[tilespmem:s24+$0x4100] =	vst v2;
	_ =	sdelay $0x2  }
0x23: {  	s24 =	sshra.s32 s23, $0x2  }
0x24: {  	(v2sf) =	vpush v4, $0x0;
	_ =	sdelay $0x6  }
0x25: {  	(v2sf) =	vpush v5, $0x0;
	_ =	sdelay $0x7  }
0x26: {  	s22 =	spop (v2sf)  }
0x27: {  	s23 =	sand.u32 $0x7, s22  }
0x28: {  	s25 =	sshra.s32 s22, $0x1F;
	p0 =	slt.s32 s22, $0x1;
	p1 =	sne.s32 s23, $0x0  }
0x29: {  	s28 =	sshrl.u32 s25, $0x1D;
	p0 =	por !p0, !p1  }
0x2a: {  	s23 =	simm.s32 $0x1;
	s22 =	sadd.s32 s28, s22;
	p0 =	por !p0, !p0  }
0x2b: {  	s22 =	sshrl.u32 s22, $0x3;
	s23 =	simm.s32 @!p0 $0x0  }
0x2c: {  	s22 =	ssub.s32 s22, s23  }
0x2d: {  	s29 =	spop (v2sf);
	s22 =	sshll.u32 s22, $0x3  }
0x2e: {  	s23 =	ssub.s32 s29, s22  }
0x2f: {  	s23 =	sadd.s32 $0x7FF, s23  }
0x30: {  	s30 =	sand.u32 $0x7FF, s23  }
0x31: {  	s31 =	sshra.s32 s23, $0x1F;
	p6 =	slt.s32 s23, $0x1;
	p5 =	sne.s32 s30, $0x0  }
0x32: {  	s25 =	sshrl.u32 s31, $0x15;
	p0 =	por !p6, !p5  }
0x33: {  	s23 =	sadd.s32 s25, s23;
	s25 =	simm.s32 $0x1;
	p0 =	por !p0, !p0  }
0x34: {  	s23 =	sshra.s32 s23, $0xB;
	s25 =	simm.s32 @!p0 $0x0  }
0x35: {  	s23 =	ssub.s32 s23, s25  }
0x36: {  	p0 =	slt.s32 s23, $0x1  }
.Ltmp3:
0x37: {  	_ = 	snop;
	(pc) =	sbr.rel @p0 .LBB2_7-.Ltmp3, $4  }
0x38: {  	_ = 	snop  }
0x39: {  	[tilespmem:s24+$0x6180] =	vst v2  }
0x3a: {  	[tilespmem:s24+$0x2080] =	vst v2  }
0x3b: {  	[tilespmem:s24+$0x4100] =	vst v2;
	s24 =	simm.s32 $0x0;
	s25 =	simm.s32 $0x0  }
.LBB2_4:
0x3c: {  	s26 =	sshll.u32 s25, $0xB  }
0x3d: {  	s26 =	sadd.s32 s22, s26  }
0x3e: {  	s26 =	sshrl.u32 s26, $0x3  }
0x3f: {  	s28 =	sadd.s32 s1, s26  }
0x40: {  	[tilespmem:s14], [sflag:$0x1] =	stream.linear.gather [hbm4b:s28+s24], $0x800, $0x38;
	[tilespmem:$0x8200] =	vst v63  }
0x41: {  	_ =	swait.ge [sflag:s13], $0x800  }
0x42: {  	[sflag:s13] =	ssyncset.done $0x0  }
0x43: {  	s28 =	sadd.s32 s5, s26;
	[sflag:s13] =	ssyncadd.s32 $0xFFFFF800  }
0x44: {  	[tilespmem:s15], [sflag:$0x1] =	stream.linear.gather [hbm4b:s28+s24], $0x800, $0x38;
	[tilespmem:$0x8200] =	vst v63  }
0x45: {  	_ =	swait.ge [sflag:s13], $0x800  }
0x46: {  	[sflag:s13] =	ssyncset.done $0x0  }
0x47: {  	s28 =	sadd.s32 s6, s26;
	[sflag:s13] =	ssyncadd.s32 $0xFFFFF800  }
0x48: {  	[tilespmem:s16], [sflag:$0x1] =	stream.linear.gather [hbm4b:s28+s24], $0x800, $0x38;
	[tilespmem:$0x8200] =	vst v63  }
0x49: {  	_ =	swait.ge [sflag:s13], $0x800  }
0x4a: {  	[sflag:s13] =	ssyncset.done $0x0  }
0x4b: {  	s26 =	sadd.s32 s8, s26;
	[sflag:s13] =	ssyncadd.s32 $0xFFFFF800  }
0x4c: {  	[tilespmem:s17], [sflag:$0x1] =	stream.linear.gather [hbm4b:s26+s24], $0x800, $0x38;
	[tilespmem:$0x8200] =	vst v63  }
0x4d: {  	_ =	swait.ge [sflag:s13], $0x800  }
0x4e: {  	[sflag:s13] =	ssyncset.done $0x0  }
0x4f: {  	s29 =	simm.s32 $0x0;
	[sflag:s13] =	ssyncadd.s32 $0xFFFFF800  }
0x50: {  	v4 =	vld [tilespmem:s29+$0x80];
	_ =	sdelay $0x4  }
0x51: {  	vm0 =	vge.s32 v4, v0;
	vm1 =	vlt.s32 v4, v1  }
0x52: {  	v4 =	vsub.s32 v4, v0;
	vm0 =	vmand vm0, vm1  }
0x53: {  	v5 =	vld [tilespmem:s29+$0x880];
	v4 =	vsel vm0, v4, v3;
	_ =	sdelay $0x4  }
0x54: {  	[tilespmem:v4+s18+$0x0] =	vst.idx.msk $0xffff, v5  }
0x55: {  	v5 =	vld [tilespmem:s29+$0x1080];
	_ =	sdelay $0x4  }
0x56: {  	[tilespmem:v4+s19+$0x0] =	vst.idx.msk $0xffff, v5  }
0x57: {  	s28 =	simm.s32 $0x80;
	s26 =	simm.s32 $0x40;
	v5 =	vld [tilespmem:s29+$0x1880]  }
.LBB2_5:
0x58: {  	_ =	sdelay $0x2  }
0x59: {  	p0 =	sne.s32 s28, $0x1FC0  }
0x5a: {  	s29 =	sshra.s32 s26, $0x2;
	s26 =	smov.u32 s28;
	s28 =	sadd.s32 $0x40, s28;
	[tilespmem:v4+s20+$0x0] =	vst.idx.msk $0xffff, v5  }
0x5b: {  	v4 =	vld [tilespmem:s29+$0x80];
	_ =	sdelay $0x4  }
0x5c: {  	vm0 =	vge.s32 v4, v0;
	vm1 =	vlt.s32 v4, v1  }
0x5d: {  	v4 =	vsub.s32 v4, v0;
	vm0 =	vmand vm0, vm1  }
0x5e: {  	v4 =	vsel vm0, v4, v3;
	v5 =	vld [tilespmem:s29+$0x880];
	_ =	sdelay $0x4  }
0x5f: {  	[tilespmem:v4+s18+$0x0] =	vst.idx.msk $0xffff, v5  }
0x60: {  	v5 =	vld [tilespmem:s29+$0x1080];
	_ =	sdelay $0x1  }
.Ltmp4:
0x61: {  	(pc) =	sbr.rel @p0 .LBB2_5-.Ltmp4, $3  }
0x62: {  	_ =	sdelay $0x1  }
0x63: {  	[tilespmem:v4+s19+$0x0] =	vst.idx.msk $0xffff, v5  }
0x64: {  	v5 =	vld [tilespmem:s29+$0x1880]  }
0x65: {  	_ =	sdelay $0x3  }
0x66: {  	s26 =	sshra.s32 s26, $0x2;
	[tilespmem:v4+s20+$0x0] =	vst.idx.msk $0xffff, v5  }
0x67: {  	v4 =	vld [tilespmem:s26+$0x80];
	_ =	sdelay $0x4  }
0x68: {  	vm0 =	vge.s32 v4, v0;
	vm1 =	vlt.s32 v4, v1  }
0x69: {  	v4 =	vsub.s32 v4, v0;
	vm0 =	vmand vm0, vm1  }
0x6a: {  	v5 =	vld [tilespmem:s26+$0x880];
	v4 =	vsel vm0, v4, v3;
	_ =	sdelay $0x4  }
0x6b: {  	[tilespmem:v4+s18+$0x0] =	vst.idx.msk $0xffff, v5  }
0x6c: {  	v5 =	vld [tilespmem:s26+$0x1080];
	_ =	sdelay $0x4  }
0x6d: {  	s25 =	sadd.s32 $0x1, s25;
	[tilespmem:v4+s19+$0x0] =	vst.idx.msk $0xffff, v5  }
0x6e: {  	p0 =	sne.s32 s25, s23;
	v5 =	vld [tilespmem:s26+$0x1880]  }
.Ltmp5:
0x6f: {  	_ = 	snop;
	(pc) =	sbr.rel @p0 .LBB2_4-.Ltmp5, $4  }
.Ltmp6:
0x70: {  	_ = 	snop;
	(pc) =	sbr.rel @!p0 .LBB2_7-.Ltmp6, $4  }
0x71: {  	_ = 	snop  }
0x72: {  	_ = 	snop  }
0x73: {  	[tilespmem:v4+s20+$0x0] =	vst.idx.msk $0xffff, v5  }
0x74: {  	_ = 	snop  }
.LBB2_8:
0x75: {  	_ =	sfence.sel $0x180000  }
0x76: {  	[bflag:$0x0] =	sbarrier.arrive $0xFFFF  }
0x77: {  	p0 =	sne.s32 s3, $0x0;
	_ =	strace $0x90000047  }
0x78: {  	s0 =	sadd.s32 @!p0 $0x100000, s0;
	[bflag:$0x2] =	sbarrier.arrive $0xFFFF  }
0x79: {  	[sflag:s0] =	ssyncadd.tile.s32 @!p0 $0x1;
	_ =	shalt  }
.Lfunc_end2:
_tile_overlayer_lowered:
.L_overlay_start_2:
0x7a: {  	(tag) =	ssettag $0x2  }
0x7b: {  	s0 =	rddreg [dreg:$0x0];
	s2 =	stileid.u32  }
0x7c: {  	s1 =	rddreg [dreg:$0x1];
	p0 =	sne.s32 s2, $0x0  }
0x7d: {  	s3 =	rddreg [dreg:$0x2];
	[bflag:$0x3] =	sbarrier.arrive $0xFFFF;
	s2 =	simm.s32 @!p0 $0x1C01  }
0x7e: {  	[timem:s3], [sflag:s2] =	dma.local @!p0 [hbm:s0], s1  }
0x7f: {  	s0 =	simm.s32 @!p0 $0x1  }
0x80: {  	_ =	swait.ge @!p0 [sflag:s0], s1  }
0x81: {  	s1 =	ssub.s32 @!p0 $0x0, s1;
	[sflag:s0] =	ssyncset.done @!p0 $0x0  }
0x82: {  	[sflag:s0] =	ssyncadd.s32 @!p0 s1  }
0x83: {  	[bflag:$0x3] =	sbarrier.arrive $0xFFFF  }
0x84: {  	_ =	shalt  }

</sc_bundles>
